<compile_context>
chip_gen: v7x
topology: tpu7x:2x2x1
jax: 0.10.2.dev20260603
libtpu: 0.0.44.dev20260713+nightly
codegen_flags: <defaults>
</compile_context>

<pallas_src>
import jax
import jax.numpy as jnp
from jax import lax
from jax.experimental import pallas as pl
from jax.experimental.pallas import tpu as pltpu
from jax.experimental.pallas import tpu_sc as plsc

N = 10000
E = 320000
D = 128
H = 128
B = 100
NPG = N // B
EPG = E // B
K = 3
C = 10
NP = 128
NW = 32


def _sc_hist_body(edge_ref, zero_ref, a_ref, src_v, dst_v, acc_v):
    c = lax.axis_index("c")
    s = lax.axis_index("s")
    wid = s * 2 + c

    def do_graph(r, carry):
        g = r * NW + wid

        @pl.when(g < B)
        def _():
            pltpu.sync_copy(zero_ref, acc_v)
            pltpu.sync_copy(edge_ref.at[0, pl.ds(g * EPG, EPG)], src_v)
            pltpu.sync_copy(edge_ref.at[1, pl.ds(g * EPG, EPG)], dst_v)
            base = g * NPG
            ones = jnp.ones((16,), jnp.float32)

            def scat(i, carry2):
                sl = src_v[pl.ds(i * 16, 16)] - base
                dl = dst_v[pl.ds(i * 16, 16)] - base
                plsc.addupdate_scatter(acc_v, [dl, sl], ones)
                return carry2

            lax.fori_loop(0, EPG // 16, scat, 0)
            pltpu.sync_copy(acc_v, a_ref.at[g])

        return carry

    lax.fori_loop(0, (B + NW - 1) // NW, do_graph, 0)


def _build_adjacency(edge_index, zeros_tile):
    mesh = plsc.VectorSubcoreMesh(core_axis_name="c", subcore_axis_name="s")
    return pl.kernel(
        _sc_hist_body,
        out_type=jax.ShapeDtypeStruct((B, NP, NP), jnp.float32),
        mesh=mesh,
        compiler_params=pltpu.CompilerParams(needs_layout_passes=False),
        scratch_types=[
            pltpu.VMEM((EPG,), jnp.int32),
            pltpu.VMEM((EPG,), jnp.int32),
            pltpu.VMEM((NP, NP), jnp.float32),
        ],
    )(edge_index, zeros_tile)


def _dot_x(a, b):
    return lax.dot(a, b, precision=lax.Precision.HIGHEST,
                   preferred_element_type=jnp.float32)


def _dot_d(a, b):
    return lax.dot(a, b, preferred_element_type=jnp.float32)


GPB = 10


def _tc_gnn_body(a_ref, x_ref, w1_ref, b1_ref, w2_ref, b2_ref,
                 wcp_ref, bc_ref, wcls_ref, bcls_ref, out_ref):
    sub_i = lax.broadcasted_iota(jnp.int32, (NP, 1), 0)
    lane_i = lax.broadcasted_iota(jnp.int32, (1, NP), 1)
    valid = sub_i < NPG
    ones_col = jnp.ones((NP, 1), jnp.float32)
    ones_row = jnp.ones((1, NP), jnp.float32)
    for gg in range(GPB):
        a = a_ref[gg]
        deg_in = _dot_d(a, ones_col)
        deg_out = _dot_d(ones_row, a)
        in_n = lax.rsqrt(jnp.maximum(deg_in, 1.0))
        out_n = lax.rsqrt(jnp.maximum(deg_out, 1.0))
        an = a * in_n * out_n

        h1 = jnp.maximum(_dot_d(_dot_x(an, x_ref[gg]), w1_ref[:]) + b1_ref[:], 0.0)
        h2 = jnp.maximum(_dot_d(_dot_x(an, h1), w2_ref[:]) + b2_ref[:], 0.0)

        key = jnp.where(valid, h2[:, H - 1:H], -1.0)
        h2t = lax.transpose(h2, (1, 0))
        key_row = jnp.where(lane_i < NPG, h2t[H - 1:H, :], -1.0)
        cmp = jnp.where((key > key_row)
                        | ((key == key_row) & (sub_i < lane_i)), 1.0, 0.0)
        rank_row = _dot_d(ones_row, cmp)
        perm = jnp.where(rank_row == sub_i.astype(jnp.float32),
                         1.0, 0.0)
        top = _dot_d(perm, h2)
        hp = jnp.concatenate([top[0:1, :], top[1:2, :], top[2:3, :]], axis=1)

        hc = jnp.maximum(_dot_d(hp, wcp_ref[:]) + bc_ref[:], 0.0)
        out_ref[gg] = _dot_d(hc, wcls_ref[:]) + bcls_ref[:]


def _run_gnn(a, xp, w1, b1, w2, b2, wcp, bc, wcls, bcls):
    full = lambda shape: pl.BlockSpec(shape, lambda g: (0,) * len(shape))
    return pl.pallas_call(
        _tc_gnn_body,
        grid=(B // GPB,),
        in_specs=[
            pl.BlockSpec((GPB, NP, NP), lambda g: (g, 0, 0)),
            pl.BlockSpec((GPB, NP, D), lambda g: (g, 0, 0)),
            full((D, H)), full((1, H)),
            full((H, H)), full((1, H)),
            full((K * H, H)), full((1, H)),
            full((H, 128)), full((1, 128)),
        ],
        out_specs=pl.BlockSpec((GPB, 1, 128), lambda g: (g, 0, 0)),
        out_shape=jax.ShapeDtypeStruct((B, 1, 128), jnp.float32),
    )(a, xp, w1, b1, w2, b2, wcp, bc, wcls, bcls).reshape(B, 128)


def kernel(x, edge_index, W1, b1, W2, b2, Wc, bc, Wcls, bcls):
    xp = jnp.pad(x.reshape(B, NPG, D), ((0, 0), (0, NP - NPG), (0, 0)))
    zeros_tile = jnp.zeros((NP, NP), jnp.float32)
    wcp = Wc.reshape(H, H * K).T
    wcls_p = jnp.pad(Wcls, ((0, 0), (0, 128 - C)))
    bcls_p = jnp.pad(bcls, (0, 128 - C)).reshape(1, 128)

    a = _build_adjacency(edge_index, zeros_tile)
    out = _run_gnn(a, xp, W1, b1.reshape(1, H), W2, b2.reshape(1, H),
                   wcp, bc.reshape(1, H), wcls_p, bcls_p)
    return out[:, :C]

# --- scband reference (transcript-rebuilt; emitter-appended) ---
"""Pipeline reference for scband-graph-classifier-14413910245985 (READ-ONLY COPY).

The authoritative reference and input builder live on the scoring server;
editing this copy changes nothing except your own understanding.
"""

import jax, jax.numpy as jnp
import numpy as np

N = 10000      # total nodes
E = 320000     # total edges
D = 128        # in_dim
H = 128        # hidden_dim
B = 100        # number of graphs in the batch
NPG = N // B   # nodes per graph (equal-size batching encodes graph membership)
K = 3          # sortpooling_k
C = 10         # n_classes


def setup_inputs(seed: int = 0) -> dict:
    key = jax.random.key(seed)
    ks = jax.random.split(key, 12)
    x = jax.random.normal(ks[0], (N, D), dtype=jnp.float32)
    # block-diagonal batched graph: edges stay within each graph of NPG nodes
    epg = E // B
    src_l = jax.random.randint(ks[1], (B, epg), 0, NPG)
    dst_l = jax.random.randint(ks[2], (B, epg), 0, NPG)
    off = (jnp.arange(B) * NPG)[:, None]
    edge_index = jnp.stack([(src_l + off).reshape(-1), (dst_l + off).reshape(-1)], axis=0).astype(jnp.int32)
    s = 0.05
    W1 = jax.random.normal(ks[3], (D, H), dtype=jnp.float32) * s
    b1 = jnp.zeros((H,), dtype=jnp.float32)
    W2 = jax.random.normal(ks[4], (H, H), dtype=jnp.float32) * s
    b2 = jnp.zeros((H,), dtype=jnp.float32)
    Wc = jax.random.normal(ks[5], (H, H, K), dtype=jnp.float32) * s  # Conv1d weight [out, in, kernel]
    bc = jnp.zeros((H,), dtype=jnp.float32)
    Wcls = jax.random.normal(ks[6], (H, C), dtype=jnp.float32) * s
    bcls = jnp.zeros((C,), dtype=jnp.float32)
    return {"x": x, "edge_index": edge_index, "W1": W1, "b1": b1, "W2": W2,
            "b2": b2, "Wc": Wc, "bc": bc, "Wcls": Wcls, "bcls": bcls}


def _graph_conv(h, W, b, src, dst, out_norm, in_norm):
    # DGL GraphConv, norm='both', allow_zero_in_degree=True
    h = h * out_norm[:, None]
    agg = jnp.zeros((h.shape[0], h.shape[1]), dtype=h.dtype).at[dst].add(jnp.take(h, src, axis=0))
    agg = agg * in_norm[:, None]
    return agg @ W + b


def reference(x, edge_index, W1, b1, W2, b2, Wc, bc, Wcls, bcls):
    src = edge_index[0]
    dst = edge_index[1]
    deg_out = jnp.clip(jnp.bincount(src, length=N).astype(jnp.float32), 1.0, None)
    deg_in = jnp.clip(jnp.bincount(dst, length=N).astype(jnp.float32), 1.0, None)
    out_norm = deg_out ** -0.5
    in_norm = deg_in ** -0.5

    h = jax.nn.relu(_graph_conv(x, W1, b1, src, dst, out_norm, in_norm))
    h = jax.nn.relu(_graph_conv(h, W2, b2, src, dst, out_norm, in_norm))

    # SortPooling(k=K): per graph, sort nodes descending by last feature channel, keep top-k rows
    hb = h.reshape(B, NPG, H)
    order = jnp.argsort(-hb[:, :, -1], axis=1)[:, :K]            # [B, K]
    top = jnp.take_along_axis(hb, order[:, :, None], axis=1)     # [B, K, H]
    hp = top.reshape(B, K * H)

    # replicate original (layout-mismatched) reshape then Conv1d(k=3) -> length 1
    hr = hp.reshape(B, H, K)
    hc = jax.nn.relu(jnp.einsum('bct,oct->bo', hr, Wc) + bc)     # squeeze of [B,H,1]
    logits = hc @ Wcls + bcls
    return logits

if __name__ == "__main__":
    import jax
    _d = setup_inputs()
    print(jax.jit(kernel)(*tuple(_d.values())))

</pallas_src>

<mosaic_0001>
#map = affine_map<(d0, d1) -> (0, 0)>
#map1 = affine_map<(d0, d1) -> (0, 0, 0)>
module attributes {stable_mosaic.version = 14 : i64} {
  func.func @_sc_hist_body(%arg0: i32, %arg1: i32, %arg2: memref<2x320000xi32, #tpu.memory_space<hbm>>, %arg3: memref<128x128xf32, #tpu.memory_space<hbm>>, %arg4: memref<100x128x128xf32, #tpu.memory_space<hbm>>, %arg5: memref<3200xi32, #tpu.memory_space<vmem>>, %arg6: memref<3200xi32, #tpu.memory_space<vmem>>, %arg7: memref<128x128xf32, #tpu.memory_space<vmem>>) attributes {dimension_semantics = [#tpu.dimension_semantics<core_parallel>, #tpu.dimension_semantics<subcore_parallel>], iteration_bounds = array<i64: 2, 16>, scalar_prefetch = 0 : i64, scratch_operands = 3 : i64, tpu.core_type = #tpu.core_type<sc_vector_subcore>, window_params = [{transform_indices = #map}, {transform_indices = #map}, {transform_indices = #map1}]} {
    %mul3A = arith.constant 2 : i32
    %mul3A_0 = arith.muli %arg1, %mul3A : i32
    %add3A = arith.addi %mul3A_0, %arg0 : i32
    %scan3A = arith.constant 0 : i32
    %scan3A_1 = arith.constant 0 : i32
    %scan3A_2 = arith.constant 4 : i32
    %scan3A_3 = arith.addi %scan3A_1, %scan3A_2 : i32
    %scan3A_4 = arith.constant 1 : i32
    scf.for %scan3A_6 = %scan3A_1 to %scan3A_3 step %scan3A_4  : i32 {
      %mul3A_7 = arith.constant 32 : i32
      %mul3A_8 = arith.muli %scan3A_6, %mul3A_7 : i32
      %add3A_9 = arith.addi %mul3A_8, %add3A : i32
      %lt3A = arith.constant 100 : i32
      %lt3A_10 = arith.cmpi slt, %add3A_9, %lt3A : i32
      %convert_element_type3A = arith.extui %lt3A_10 : i1 to i32
      %cond3A = arith.constant 0 : i32
      %cond3A_11 = arith.cmpi ne, %convert_element_type3A, %cond3A : i32
      scf.if %cond3A_11 {
        "tpu.region"() ({
          %run_scoped3A_26 = tpu.sem_alloc : memref<!tpu.dma_semaphore, #tpu.memory_space<semaphore_mem>>
          tpu.enqueue_dma source(%arg3 : memref<128x128xf32, #tpu.memory_space<hbm>>) target(%arg7 : memref<128x128xf32, #tpu.memory_space<vmem>>) target_semaphore(%run_scoped3A_26 : memref<!tpu.dma_semaphore, #tpu.memory_space<semaphore_mem>>)
          tpu.wait_dma2 semaphore(%run_scoped3A_26 : memref<!tpu.dma_semaphore, #tpu.memory_space<semaphore_mem>>) src(%arg3 : memref<128x128xf32, #tpu.memory_space<hbm>>) dst(%arg7 : memref<128x128xf32, #tpu.memory_space<vmem>>)
          tpu.yield
        }) : () -> ()
        %mul3A_12 = arith.constant 3200 : i32
        %mul3A_13 = arith.muli %add3A_9, %mul3A_12 : i32
        %run_scoped3A = arith.constant 0 : i32
        "tpu.region"() ({
          %run_scoped3A_26 = tpu.sem_alloc : memref<!tpu.dma_semaphore, #tpu.memory_space<semaphore_mem>>
          %dma_start3A = tpu.memref_slice %arg2[%run_scoped3A, %mul3A_13] : memref<2x320000xi32, #tpu.memory_space<hbm>> -> memref<1x3200xi32, #tpu.memory_space<hbm>>
          %dma_start3A_27 = tpu.memref_squeeze %dma_start3A : memref<1x3200xi32, #tpu.memory_space<hbm>> -> memref<3200xi32, #tpu.memory_space<hbm>>
          %dma_start3A_28 = tpu.memref_slice %arg2[%run_scoped3A, %mul3A_13] : memref<2x320000xi32, #tpu.memory_space<hbm>> -> memref<1x3200xi32, #tpu.memory_space<hbm>>
          %dma_start3A_29 = tpu.memref_squeeze %dma_start3A_28 : memref<1x3200xi32, #tpu.memory_space<hbm>> -> memref<3200xi32, #tpu.memory_space<hbm>>
          tpu.enqueue_dma source(%dma_start3A_29 : memref<3200xi32, #tpu.memory_space<hbm>>) target(%arg5 : memref<3200xi32, #tpu.memory_space<vmem>>) target_semaphore(%run_scoped3A_26 : memref<!tpu.dma_semaphore, #tpu.memory_space<semaphore_mem>>)
          %dma_wait3A = tpu.memref_slice %arg2[%run_scoped3A, %mul3A_13] : memref<2x320000xi32, #tpu.memory_space<hbm>> -> memref<1x3200xi32, #tpu.memory_space<hbm>>
          %dma_wait3A_30 = tpu.memref_squeeze %dma_wait3A : memref<1x3200xi32, #tpu.memory_space<hbm>> -> memref<3200xi32, #tpu.memory_space<hbm>>
          %dma_wait3A_31 = tpu.memref_slice %arg2[%run_scoped3A, %mul3A_13] : memref<2x320000xi32, #tpu.memory_space<hbm>> -> memref<1x3200xi32, #tpu.memory_space<hbm>>
          %dma_wait3A_32 = tpu.memref_squeeze %dma_wait3A_31 : memref<1x3200xi32, #tpu.memory_space<hbm>> -> memref<3200xi32, #tpu.memory_space<hbm>>
          tpu.wait_dma2 semaphore(%run_scoped3A_26 : memref<!tpu.dma_semaphore, #tpu.memory_space<semaphore_mem>>) src(%dma_wait3A_32 : memref<3200xi32, #tpu.memory_space<hbm>>) dst(%arg5 : memref<3200xi32, #tpu.memory_space<vmem>>)
          tpu.yield
        }) : () -> ()
        %mul3A_14 = arith.constant 3200 : i32
        %mul3A_15 = arith.muli %add3A_9, %mul3A_14 : i32
        %run_scoped3A_16 = arith.constant 1 : i32
        "tpu.region"() ({
          %run_scoped3A_26 = tpu.sem_alloc : memref<!tpu.dma_semaphore, #tpu.memory_space<semaphore_mem>>
          %dma_start3A = tpu.memref_slice %arg2[%run_scoped3A_16, %mul3A_15] : memref<2x320000xi32, #tpu.memory_space<hbm>> -> memref<1x3200xi32, #tpu.memory_space<hbm>>
          %dma_start3A_27 = tpu.memref_squeeze %dma_start3A : memref<1x3200xi32, #tpu.memory_space<hbm>> -> memref<3200xi32, #tpu.memory_space<hbm>>
          %dma_start3A_28 = tpu.memref_slice %arg2[%run_scoped3A_16, %mul3A_15] : memref<2x320000xi32, #tpu.memory_space<hbm>> -> memref<1x3200xi32, #tpu.memory_space<hbm>>
          %dma_start3A_29 = tpu.memref_squeeze %dma_start3A_28 : memref<1x3200xi32, #tpu.memory_space<hbm>> -> memref<3200xi32, #tpu.memory_space<hbm>>
          tpu.enqueue_dma source(%dma_start3A_29 : memref<3200xi32, #tpu.memory_space<hbm>>) target(%arg6 : memref<3200xi32, #tpu.memory_space<vmem>>) target_semaphore(%run_scoped3A_26 : memref<!tpu.dma_semaphore, #tpu.memory_space<semaphore_mem>>)
          %dma_wait3A = tpu.memref_slice %arg2[%run_scoped3A_16, %mul3A_15] : memref<2x320000xi32, #tpu.memory_space<hbm>> -> memref<1x3200xi32, #tpu.memory_space<hbm>>
          %dma_wait3A_30 = tpu.memref_squeeze %dma_wait3A : memref<1x3200xi32, #tpu.memory_space<hbm>> -> memref<3200xi32, #tpu.memory_space<hbm>>
          %dma_wait3A_31 = tpu.memref_slice %arg2[%run_scoped3A_16, %mul3A_15] : memref<2x320000xi32, #tpu.memory_space<hbm>> -> memref<1x3200xi32, #tpu.memory_space<hbm>>
          %dma_wait3A_32 = tpu.memref_squeeze %dma_wait3A_31 : memref<1x3200xi32, #tpu.memory_space<hbm>> -> memref<3200xi32, #tpu.memory_space<hbm>>
          tpu.wait_dma2 semaphore(%run_scoped3A_26 : memref<!tpu.dma_semaphore, #tpu.memory_space<semaphore_mem>>) src(%dma_wait3A_32 : memref<3200xi32, #tpu.memory_space<hbm>>) dst(%arg6 : memref<3200xi32, #tpu.memory_space<vmem>>)
          tpu.yield
        }) : () -> ()
        %mul3A_17 = arith.constant 100 : i32
        %mul3A_18 = arith.muli %add3A_9, %mul3A_17 : i32
        %broadcast_in_dim3A = arith.constant 1.000000e+00 : f32
        %broadcast_in_dim3A_19 = vector.broadcast %broadcast_in_dim3A : f32 to vector<16xf32>
        %scan3A_20 = arith.constant 0 : i32
        %scan3A_21 = arith.constant 0 : i32
        %scan3A_22 = arith.constant 200 : i32
        %scan3A_23 = arith.addi %scan3A_21, %scan3A_22 : i32
        %scan3A_24 = arith.constant 1 : i32
        scf.for %scan3A_26 = %scan3A_21 to %scan3A_23 step %scan3A_24  : i32 {
          %mul3A_27 = arith.constant 16 : i32
          %mul3A_28 = arith.muli %scan3A_26, %mul3A_27 : i32
          %get3A = arith.index_cast %mul3A_28 : i32 to index
          %get3A_29 = tpu.vector_load %arg5[%get3A] {strides = array<i32>} : memref<3200xi32, #tpu.memory_space<vmem>>, vector<16xi32>,
          %sub3A = vector.broadcast %mul3A_18 : i32 to vector<16xi32>
          %sub3A_30 = arith.subi %get3A_29, %sub3A : vector<16xi32>
          %mul3A_31 = arith.constant 16 : i32
          %mul3A_32 = arith.muli %scan3A_26, %mul3A_31 : i32
          %get3A_33 = arith.index_cast %mul3A_32 : i32 to index
          %get3A_34 = tpu.vector_load %arg6[%get3A_33] {strides = array<i32>} : memref<3200xi32, #tpu.memory_space<vmem>>, vector<16xi32>,
          %sub3A_35 = vector.broadcast %mul3A_18 : i32 to vector<16xi32>
          %sub3A_36 = arith.subi %get3A_34, %sub3A_35 : vector<16xi32>
          tpu.vector_store_idx %arg7[%sub3A_36, %sub3A_30], %broadcast_in_dim3A_19 {add = true} : memref<128x128xf32, #tpu.memory_space<vmem>>[vector<16xi32>, vector<16xi32>], vector<16xf32>,
        }
        %scan3A_25 = arith.constant 200 : i32
        "tpu.region"() ({
          %run_scoped3A_26 = tpu.sem_alloc : memref<!tpu.dma_semaphore, #tpu.memory_space<semaphore_mem>>
          %dma_start3A = arith.constant 0 : i32
          %dma_start3A_27 = arith.constant 0 : i32
          %dma_start3A_28 = tpu.memref_slice %arg4[%add3A_9, %dma_start3A, %dma_start3A_27] : memref<100x128x128xf32, #tpu.memory_space<hbm>> -> memref<1x128x128xf32, #tpu.memory_space<hbm>>
          %dma_start3A_29 = tpu.memref_squeeze %dma_start3A_28 : memref<1x128x128xf32, #tpu.memory_space<hbm>> -> memref<128x128xf32, #tpu.memory_space<hbm>>
          %dma_start3A_30 = arith.constant 0 : i32
          %dma_start3A_31 = arith.constant 0 : i32
          %dma_start3A_32 = tpu.memref_slice %arg4[%add3A_9, %dma_start3A_30, %dma_start3A_31] : memref<100x128x128xf32, #tpu.memory_space<hbm>> -> memref<1x128x128xf32, #tpu.memory_space<hbm>>
          %dma_start3A_33 = tpu.memref_squeeze %dma_start3A_32 : memref<1x128x128xf32, #tpu.memory_space<hbm>> -> memref<128x128xf32, #tpu.memory_space<hbm>>
          tpu.enqueue_dma source(%arg7 : memref<128x128xf32, #tpu.memory_space<vmem>>) target(%dma_start3A_33 : memref<128x128xf32, #tpu.memory_space<hbm>>) target_semaphore(%run_scoped3A_26 : memref<!tpu.dma_semaphore, #tpu.memory_space<semaphore_mem>>)
          %dma_wait3A = arith.constant 0 : i32
          %dma_wait3A_34 = arith.constant 0 : i32
          %dma_wait3A_35 = tpu.memref_slice %arg4[%add3A_9, %dma_wait3A, %dma_wait3A_34] : memref<100x128x128xf32, #tpu.memory_space<hbm>> -> memref<1x128x128xf32, #tpu.memory_space<hbm>>
          %dma_wait3A_36 = tpu.memref_squeeze %dma_wait3A_35 : memref<1x128x128xf32, #tpu.memory_space<hbm>> -> memref<128x128xf32, #tpu.memory_space<hbm>>
          %dma_wait3A_37 = arith.constant 0 : i32
          %dma_wait3A_38 = arith.constant 0 : i32
          %dma_wait3A_39 = tpu.memref_slice %arg4[%add3A_9, %dma_wait3A_37, %dma_wait3A_38] : memref<100x128x128xf32, #tpu.memory_space<hbm>> -> memref<1x128x128xf32, #tpu.memory_space<hbm>>
          %dma_wait3A_40 = tpu.memref_squeeze %dma_wait3A_39 : memref<1x128x128xf32, #tpu.memory_space<hbm>> -> memref<128x128xf32, #tpu.memory_space<hbm>>
          tpu.wait_dma2 semaphore(%run_scoped3A_26 : memref<!tpu.dma_semaphore, #tpu.memory_space<semaphore_mem>>) src(%arg7 : memref<128x128xf32, #tpu.memory_space<vmem>>) dst(%dma_wait3A_40 : memref<128x128xf32, #tpu.memory_space<hbm>>)
          tpu.yield
        }) : () -> ()
      } else {
      }
    }
    %scan3A_5 = arith.constant 4 : i32
    return
  }
}

module attributes {stable_mosaic.version = 14 : i64} {
  func.func @_tc_gnn_body(%arg0: i32, %arg1: memref<10x128x128xf32, #tpu.memory_space<vmem>>, %arg2: memref<10x128x128xf32, #tpu.memory_space<vmem>>, %arg3: memref<128x128xf32, #tpu.memory_space<vmem>>, %arg4: memref<1x128xf32, #tpu.memory_space<vmem>>, %arg5: memref<128x128xf32, #tpu.memory_space<vmem>>, %arg6: memref<1x128xf32, #tpu.memory_space<vmem>>, %arg7: memref<384x128xf32, #tpu.memory_space<vmem>>, %arg8: memref<1x128xf32, #tpu.memory_space<vmem>>, %arg9: memref<128x128xf32, #tpu.memory_space<vmem>>, %arg10: memref<1x128xf32, #tpu.memory_space<vmem>>, %arg11: memref<10x1x128xf32, #tpu.memory_space<vmem>>) attributes {dimension_semantics = [#tpu.dimension_semantics<arbitrary>], iteration_bounds = array<i64: 10>, scalar_prefetch = 0 : i64, scratch_operands = 0 : i64, tpu.core_type = #tpu.core_type<tc>, window_params = [{transform_indices = @transform_0, window_bounds = array<i64: 10, 128, 128>}, {transform_indices = @transform_1, window_bounds = array<i64: 10, 128, 128>}, {pipeline_mode = #tpu.pipeline_mode<synchronous>, transform_indices = @transform_2, window_bounds = array<i64: 128, 128>}, {pipeline_mode = #tpu.pipeline_mode<synchronous>, transform_indices = @transform_3, window_bounds = array<i64: 1, 128>}, {pipeline_mode = #tpu.pipeline_mode<synchronous>, transform_indices = @transform_4, window_bounds = array<i64: 128, 128>}, {pipeline_mode = #tpu.pipeline_mode<synchronous>, transform_indices = @transform_5, window_bounds = array<i64: 1, 128>}, {pipeline_mode = #tpu.pipeline_mode<synchronous>, transform_indices = @transform_6, window_bounds = array<i64: 384, 128>}, {pipeline_mode = #tpu.pipeline_mode<synchronous>, transform_indices = @transform_7, window_bounds = array<i64: 1, 128>}, {pipeline_mode = #tpu.pipeline_mode<synchronous>, transform_indices = @transform_8, window_bounds = array<i64: 128, 128>}, {pipeline_mode = #tpu.pipeline_mode<synchronous>, transform_indices = @transform_9, window_bounds = array<i64: 1, 128>}, {transform_indices = @transform_10, window_bounds = array<i64: 10, 1, 128>}]} {
    %iota3A = tpu.iota {dimensions = array<i32: 0>} : vector<128x1xi32>
    %iota3A_0 = tpu.iota {dimensions = array<i32: 1>} : vector<1x128xi32>
    %lt3A = arith.constant 100 : i32
    %lt3A_1 = vector.broadcast %lt3A : i32 to vector<128x1xi32>
    %lt3A_2 = arith.cmpi slt, %iota3A, %lt3A_1 : vector<128x1xi32>
    %broadcast_in_dim3A = arith.constant 1.000000e+00 : f32
    %broadcast_in_dim3A_3 = vector.broadcast %broadcast_in_dim3A : f32 to vector<128x1xf32>
    %broadcast_in_dim3A_4 = arith.constant 1.000000e+00 : f32
    %broadcast_in_dim3A_5 = vector.broadcast %broadcast_in_dim3A_4 : f32 to vector<1x128xf32>
    %get3A = arith.constant 0 : index
    %get3A_6 = arith.constant 0 : index
    %get3A_7 = arith.constant 0 : index
    %get3A_8 = vector.load %arg1[%get3A, %get3A_6, %get3A_7] : memref<10x128x128xf32, #tpu.memory_space<vmem>>, vector<1x128x128xf32>
    %get3A_9 = vector.shape_cast %get3A_8 : vector<1x128x128xf32> to vector<128x128xf32>
    %dot_general3A = arith.constant dense<0.000000e+00> : vector<128x1xf32>
    %dot_general3A_10 = tpu.matmul %get3A_9, %broadcast_in_dim3A_3, %dot_general3A {dimension_numbers = #tpu.dot_dimension_numbers<[1], [0], [0], [1], [0, 0, 1, 1], [], []>, transpose_lhs_hint = false} : vector<128x128xf32>, vector<128x1xf32>, vector<128x1xf32> -> vector<128x1xf32>
    %dot_general3A_11 = arith.constant dense<0.000000e+00> : vector<1x128xf32>
    %dot_general3A_12 = tpu.matmul %broadcast_in_dim3A_5, %get3A_9, %dot_general3A_11 {dimension_numbers = #tpu.dot_dimension_numbers<[1], [0], [0], [1], [0, 0, 1, 1], [], []>, transpose_lhs_hint = false} : vector<1x128xf32>, vector<128x128xf32>, vector<1x128xf32> -> vector<1x128xf32>
    %max3A = arith.constant 1.000000e+00 : f32
    %max3A_13 = vector.broadcast %max3A : f32 to vector<128x1xf32>
    %max3A_14 = arith.maximumf %dot_general3A_10, %max3A_13 : vector<128x1xf32>
    %rsqrt3A = math.rsqrt %max3A_14 : vector<128x1xf32>
    %max3A_15 = arith.constant 1.000000e+00 : f32
    %max3A_16 = vector.broadcast %max3A_15 : f32 to vector<1x128xf32>
    %max3A_17 = arith.maximumf %dot_general3A_12, %max3A_16 : vector<1x128xf32>
    %rsqrt3A_18 = math.rsqrt %max3A_17 : vector<1x128xf32>
    %mul3A = vector.broadcast %rsqrt3A : vector<128x1xf32> to vector<128x128xf32>
    %mul3A_19 = arith.mulf %get3A_9, %mul3A : vector<128x128xf32>
    %mul3A_20 = vector.broadcast %rsqrt3A_18 : vector<1x128xf32> to vector<128x128xf32>
    %mul3A_21 = arith.mulf %mul3A_19, %mul3A_20 : vector<128x128xf32>
    %get3A_22 = arith.constant 0 : index
    %get3A_23 = arith.constant 0 : index
    %get3A_24 = arith.constant 0 : index
    %get3A_25 = vector.load %arg2[%get3A_22, %get3A_23, %get3A_24] : memref<10x128x128xf32, #tpu.memory_space<vmem>>, vector<1x128x128xf32>
    %get3A_26 = vector.shape_cast %get3A_25 : vector<1x128x128xf32> to vector<128x128xf32>
    %dot_general3A_27 = arith.constant dense<0.000000e+00> : vector<128x128xf32>
    %dot_general3A_28 = tpu.matmul %mul3A_21, %get3A_26, %dot_general3A_27 {dimension_numbers = #tpu.dot_dimension_numbers<[1], [0], [0], [1], [0, 0, 1, 1], [], []>, precision = #tpu.contract_precision<fp32>, transpose_lhs_hint = false} : vector<128x128xf32>, vector<128x128xf32>, vector<128x128xf32> -> vector<128x128xf32>
    %get3A_29 = arith.constant 0 : index
    %get3A_30 = arith.constant 0 : index
    %get3A_31 = vector.load %arg3[%get3A_29, %get3A_30] : memref<128x128xf32, #tpu.memory_space<vmem>>, vector<128x128xf32>
    %dot_general3A_32 = arith.constant dense<0.000000e+00> : vector<128x128xf32>
    %dot_general3A_33 = tpu.matmul %dot_general3A_28, %get3A_31, %dot_general3A_32 {dimension_numbers = #tpu.dot_dimension_numbers<[1], [0], [0], [1], [0, 0, 1, 1], [], []>, transpose_lhs_hint = false} : vector<128x128xf32>, vector<128x128xf32>, vector<128x128xf32> -> vector<128x128xf32>
    %get3A_34 = arith.constant 0 : index
    %get3A_35 = arith.constant 0 : index
    %get3A_36 = vector.load %arg4[%get3A_34, %get3A_35] : memref<1x128xf32, #tpu.memory_space<vmem>>, vector<1x128xf32>
    %add3A = vector.broadcast %get3A_36 : vector<1x128xf32> to vector<128x128xf32>
    %add3A_37 = arith.addf %dot_general3A_33, %add3A : vector<128x128xf32>
    %max3A_38 = arith.constant 0.000000e+00 : f32
    %max3A_39 = vector.broadcast %max3A_38 : f32 to vector<128x128xf32>
    %max3A_40 = arith.maximumf %add3A_37, %max3A_39 : vector<128x128xf32>
    %dot_general3A_41 = arith.constant dense<0.000000e+00> : vector<128x128xf32>
    %dot_general3A_42 = tpu.matmul %mul3A_21, %max3A_40, %dot_general3A_41 {dimension_numbers = #tpu.dot_dimension_numbers<[1], [0], [0], [1], [0, 0, 1, 1], [], []>, precision = #tpu.contract_precision<fp32>, transpose_lhs_hint = false} : vector<128x128xf32>, vector<128x128xf32>, vector<128x128xf32> -> vector<128x128xf32>
    %get3A_43 = arith.constant 0 : index
    %get3A_44 = arith.constant 0 : index
    %get3A_45 = vector.load %arg5[%get3A_43, %get3A_44] : memref<128x128xf32, #tpu.memory_space<vmem>>, vector<128x128xf32>
    %dot_general3A_46 = arith.constant dense<0.000000e+00> : vector<128x128xf32>
    %dot_general3A_47 = tpu.matmul %dot_general3A_42, %get3A_45, %dot_general3A_46 {dimension_numbers = #tpu.dot_dimension_numbers<[1], [0], [0], [1], [0, 0, 1, 1], [], []>, transpose_lhs_hint = false} : vector<128x128xf32>, vector<128x128xf32>, vector<128x128xf32> -> vector<128x128xf32>
    %get3A_48 = arith.constant 0 : index
    %get3A_49 = arith.constant 0 : index
    %get3A_50 = vector.load %arg6[%get3A_48, %get3A_49] : memref<1x128xf32, #tpu.memory_space<vmem>>, vector<1x128xf32>
    %add3A_51 = vector.broadcast %get3A_50 : vector<1x128xf32> to vector<128x128xf32>
    %add3A_52 = arith.addf %dot_general3A_47, %add3A_51 : vector<128x128xf32>
    %max3A_53 = arith.constant 0.000000e+00 : f32
    %max3A_54 = vector.broadcast %max3A_53 : f32 to vector<128x128xf32>
    %max3A_55 = arith.maximumf %add3A_52, %max3A_54 : vector<128x128xf32>
    %slice3A = vector.extract_strided_slice %max3A_55 {offsets = [0, 127], sizes = [128, 1], strides = [1, 1]} : vector<128x128xf32> to vector<128x1xf32>
    %jit3A = arith.constant -1.000000e+00 : f32
    %broadcast_in_dim3A_56 = vector.broadcast %jit3A : f32 to vector<128x1xf32>
    %select_n3A = arith.select %lt3A_2, %slice3A, %broadcast_in_dim3A_56 : vector<128x1xi1>, vector<128x1xf32>
    %transpose3A = tpu.transpose %max3A_55, [1, 0] : vector<128x128xf32> -> vector<128x128xf32>
    %lt3A_57 = arith.constant 100 : i32
    %lt3A_58 = vector.broadcast %lt3A_57 : i32 to vector<1x128xi32>
    %lt3A_59 = arith.cmpi slt, %iota3A_0, %lt3A_58 : vector<1x128xi32>
    %slice3A_60 = vector.extract_strided_slice %transpose3A {offsets = [127, 0], sizes = [1, 128], strides = [1, 1]} : vector<128x128xf32> to vector<1x128xf32>
    %jit3A_61 = arith.constant -1.000000e+00 : f32
    %broadcast_in_dim3A_62 = vector.broadcast %jit3A_61 : f32 to vector<1x128xf32>
    %select_n3A_63 = arith.select %lt3A_59, %slice3A_60, %broadcast_in_dim3A_62 : vector<1x128xi1>, vector<1x128xf32>
    %gt3A = vector.broadcast %select_n3A : vector<128x1xf32> to vector<128x128xf32>
    %gt3A_64 = vector.broadcast %select_n3A_63 : vector<1x128xf32> to vector<128x128xf32>
    %gt3A_65 = arith.cmpf ogt, %gt3A, %gt3A_64 : vector<128x128xf32>
    %eq3A = vector.broadcast %select_n3A : vector<128x1xf32> to vector<128x128xf32>
    %eq3A_66 = vector.broadcast %select_n3A_63 : vector<1x128xf32> to vector<128x128xf32>
    %eq3A_67 = arith.cmpf oeq, %eq3A, %eq3A_66 : vector<128x128xf32>
    %lt3A_68 = vector.broadcast %iota3A : vector<128x1xi32> to vector<128x128xi32>
    %lt3A_69 = vector.broadcast %iota3A_0 : vector<1x128xi32> to vector<128x128xi32>
    %lt3A_70 = arith.cmpi slt, %lt3A_68, %lt3A_69 : vector<128x128xi32>
    %and3A = arith.andi %eq3A_67, %lt3A_70 : vector<128x128xi1>
    %or3A = arith.ori %gt3A_65, %and3A : vector<128x128xi1>
    %jit3A_71 = arith.constant 1.000000e+00 : f32
    %jit3A_72 = arith.constant 0.000000e+00 : f32
    %broadcast_in_dim3A_73 = vector.broadcast %jit3A_71 : f32 to vector<128x128xf32>
    %broadcast_in_dim3A_74 = vector.broadcast %jit3A_72 : f32 to vector<128x128xf32>
    %select_n3A_75 = arith.select %or3A, %broadcast_in_dim3A_73, %broadcast_in_dim3A_74 : vector<128x128xi1>, vector<128x128xf32>
    %dot_general3A_76 = arith.constant dense<0.000000e+00> : vector<1x128xf32>
    %dot_general3A_77 = tpu.matmul %broadcast_in_dim3A_5, %select_n3A_75, %dot_general3A_76 {dimension_numbers = #tpu.dot_dimension_numbers<[1], [0], [0], [1], [0, 0, 1, 1], [], []>, transpose_lhs_hint = false} : vector<1x128xf32>, vector<128x128xf32>, vector<1x128xf32> -> vector<1x128xf32>
    %convert_element_type3A = arith.sitofp %iota3A : vector<128x1xi32> to vector<128x1xf32>
    %eq3A_78 = vector.broadcast %dot_general3A_77 : vector<1x128xf32> to vector<128x128xf32>
    %eq3A_79 = vector.broadcast %convert_element_type3A : vector<128x1xf32> to vector<128x128xf32>
    %eq3A_80 = arith.cmpf oeq, %eq3A_78, %eq3A_79 : vector<128x128xf32>
    %jit3A_81 = arith.constant 1.000000e+00 : f32
    %jit3A_82 = arith.constant 0.000000e+00 : f32
    %broadcast_in_dim3A_83 = vector.broadcast %jit3A_81 : f32 to vector<128x128xf32>
    %broadcast_in_dim3A_84 = vector.broadcast %jit3A_82 : f32 to vector<128x128xf32>
    %select_n3A_85 = arith.select %eq3A_80, %broadcast_in_dim3A_83, %broadcast_in_dim3A_84 : vector<128x128xi1>, vector<128x128xf32>
    %dot_general3A_86 = arith.constant dense<0.000000e+00> : vector<128x128xf32>
    %dot_general3A_87 = tpu.matmul %select_n3A_85, %max3A_55, %dot_general3A_86 {dimension_numbers = #tpu.dot_dimension_numbers<[1], [0], [0], [1], [0, 0, 1, 1], [], []>, transpose_lhs_hint = false} : vector<128x128xf32>, vector<128x128xf32>, vector<128x128xf32> -> vector<128x128xf32>
    %slice3A_88 = vector.extract_strided_slice %dot_general3A_87 {offsets = [0, 0], sizes = [1, 128], strides = [1, 1]} : vector<128x128xf32> to vector<1x128xf32>
    %slice3A_89 = vector.extract_strided_slice %dot_general3A_87 {offsets = [1, 0], sizes = [1, 128], strides = [1, 1]} : vector<128x128xf32> to vector<1x128xf32>
    %slice3A_90 = vector.extract_strided_slice %dot_general3A_87 {offsets = [2, 0], sizes = [1, 128], strides = [1, 1]} : vector<128x128xf32> to vector<1x128xf32>
    %concatenate3A = tpu.concatenate %slice3A_88, %slice3A_89, %slice3A_90 in 1 : vector<1x128xf32>, vector<1x128xf32>, vector<1x128xf32> -> vector<1x384xf32>
    %get3A_91 = arith.constant 0 : index
    %get3A_92 = arith.constant 0 : index
    %get3A_93 = vector.load %arg7[%get3A_91, %get3A_92] : memref<384x128xf32, #tpu.memory_space<vmem>>, vector<384x128xf32>
    %dot_general3A_94 = arith.constant dense<0.000000e+00> : vector<1x128xf32>
    %dot_general3A_95 = tpu.matmul %concatenate3A, %get3A_93, %dot_general3A_94 {dimension_numbers = #tpu.dot_dimension_numbers<[1], [0], [0], [1], [0, 0, 1, 1], [], []>, transpose_lhs_hint = false} : vector<1x384xf32>, vector<384x128xf32>, vector<1x128xf32> -> vector<1x128xf32>
    %get3A_96 = arith.constant 0 : index
    %get3A_97 = arith.constant 0 : index
    %get3A_98 = vector.load %arg8[%get3A_96, %get3A_97] : memref<1x128xf32, #tpu.memory_space<vmem>>, vector<1x128xf32>
    %add3A_99 = arith.addf %dot_general3A_95, %get3A_98 : vector<1x128xf32>
    %max3A_100 = arith.constant 0.000000e+00 : f32
    %max3A_101 = vector.broadcast %max3A_100 : f32 to vector<1x128xf32>
    %max3A_102 = arith.maximumf %add3A_99, %max3A_101 : vector<1x128xf32>
    %get3A_103 = arith.constant 0 : index
    %get3A_104 = arith.constant 0 : index
    %get3A_105 = vector.load %arg9[%get3A_103, %get3A_104] : memref<128x128xf32, #tpu.memory_space<vmem>>, vector<128x128xf32>
    %dot_general3A_106 = arith.constant dense<0.000000e+00> : vector<1x128xf32>
    %dot_general3A_107 = tpu.matmul %max3A_102, %get3A_105, %dot_general3A_106 {dimension_numbers = #tpu.dot_dimension_numbers<[1], [0], [0], [1], [0, 0, 1, 1], [], []>, transpose_lhs_hint = false} : vector<1x128xf32>, vector<128x128xf32>, vector<1x128xf32> -> vector<1x128xf32>
    %get3A_108 = arith.constant 0 : index
    %get3A_109 = arith.constant 0 : index
    %get3A_110 = vector.load %arg10[%get3A_108, %get3A_109] : memref<1x128xf32, #tpu.memory_space<vmem>>, vector<1x128xf32>
    %add3A_111 = arith.addf %dot_general3A_107, %get3A_110 : vector<1x128xf32>
    %swap3A = arith.constant 0 : index
    %swap3A_112 = arith.constant 0 : index
    %swap3A_113 = arith.constant 0 : index
    %swap3A_114 = vector.load %arg11[%swap3A, %swap3A_112, %swap3A_113] : memref<10x1x128xf32, #tpu.memory_space<vmem>>, vector<1x1x128xf32>
    %swap3A_115 = vector.shape_cast %swap3A_114 : vector<1x1x128xf32> to vector<1x128xf32>
    %swap3A_116 = vector.shape_cast %add3A_111 : vector<1x128xf32> to vector<1x1x128xf32>
    tpu.vector_store %arg11[%swap3A, %swap3A_112, %swap3A_113], %swap3A_116 {strides = array<i32>} : memref<10x1x128xf32, #tpu.memory_space<vmem>>, vector<1x1x128xf32>,
    %get3A_117 = arith.constant 1 : index
    %get3A_118 = arith.constant 0 : index
    %get3A_119 = arith.constant 0 : index
    %get3A_120 = vector.load %arg1[%get3A_117, %get3A_118, %get3A_119] : memref<10x128x128xf32, #tpu.memory_space<vmem>>, vector<1x128x128xf32>
    %get3A_121 = vector.shape_cast %get3A_120 : vector<1x128x128xf32> to vector<128x128xf32>
    %dot_general3A_122 = arith.constant dense<0.000000e+00> : vector<128x1xf32>
    %dot_general3A_123 = tpu.matmul %get3A_121, %broadcast_in_dim3A_3, %dot_general3A_122 {dimension_numbers = #tpu.dot_dimension_numbers<[1], [0], [0], [1], [0, 0, 1, 1], [], []>, transpose_lhs_hint = false} : vector<128x128xf32>, vector<128x1xf32>, vector<128x1xf32> -> vector<128x1xf32>
    %dot_general3A_124 = arith.constant dense<0.000000e+00> : vector<1x128xf32>
    %dot_general3A_125 = tpu.matmul %broadcast_in_dim3A_5, %get3A_121, %dot_general3A_124 {dimension_numbers = #tpu.dot_dimension_numbers<[1], [0], [0], [1], [0, 0, 1, 1], [], []>, transpose_lhs_hint = false} : vector<1x128xf32>, vector<128x128xf32>, vector<1x128xf32> -> vector<1x128xf32>
    %max3A_126 = arith.constant 1.000000e+00 : f32
    %max3A_127 = vector.broadcast %max3A_126 : f32 to vector<128x1xf32>
    %max3A_128 = arith.maximumf %dot_general3A_123, %max3A_127 : vector<128x1xf32>
    %rsqrt3A_129 = math.rsqrt %max3A_128 : vector<128x1xf32>
    %max3A_130 = arith.constant 1.000000e+00 : f32
    %max3A_131 = vector.broadcast %max3A_130 : f32 to vector<1x128xf32>
    %max3A_132 = arith.maximumf %dot_general3A_125, %max3A_131 : vector<1x128xf32>
    %rsqrt3A_133 = math.rsqrt %max3A_132 : vector<1x128xf32>
    %mul3A_134 = vector.broadcast %rsqrt3A_129 : vector<128x1xf32> to vector<128x128xf32>
    %mul3A_135 = arith.mulf %get3A_121, %mul3A_134 : vector<128x128xf32>
    %mul3A_136 = vector.broadcast %rsqrt3A_133 : vector<1x128xf32> to vector<128x128xf32>
    %mul3A_137 = arith.mulf %mul3A_135, %mul3A_136 : vector<128x128xf32>
    %get3A_138 = arith.constant 1 : index
    %get3A_139 = arith.constant 0 : index
    %get3A_140 = arith.constant 0 : index
    %get3A_141 = vector.load %arg2[%get3A_138, %get3A_139, %get3A_140] : memref<10x128x128xf32, #tpu.memory_space<vmem>>, vector<1x128x128xf32>
    %get3A_142 = vector.shape_cast %get3A_141 : vector<1x128x128xf32> to vector<128x128xf32>
    %dot_general3A_143 = arith.constant dense<0.000000e+00> : vector<128x128xf32>
    %dot_general3A_144 = tpu.matmul %mul3A_137, %get3A_142, %dot_general3A_143 {dimension_numbers = #tpu.dot_dimension_numbers<[1], [0], [0], [1], [0, 0, 1, 1], [], []>, precision = #tpu.contract_precision<fp32>, transpose_lhs_hint = false} : vector<128x128xf32>, vector<128x128xf32>, vector<128x128xf32> -> vector<128x128xf32>
    %get3A_145 = arith.constant 0 : index
    %get3A_146 = arith.constant 0 : index
    %get3A_147 = vector.load %arg3[%get3A_145, %get3A_146] : memref<128x128xf32, #tpu.memory_space<vmem>>, vector<128x128xf32>
    %dot_general3A_148 = arith.constant dense<0.000000e+00> : vector<128x128xf32>
    %dot_general3A_149 = tpu.matmul %dot_general3A_144, %get3A_147, %dot_general3A_148 {dimension_numbers = #tpu.dot_dimension_numbers<[1], [0], [0], [1], [0, 0, 1, 1], [], []>, transpose_lhs_hint = false} : vector<128x128xf32>, vector<128x128xf32>, vector<128x128xf32> -> vector<128x128xf32>
    %get3A_150 = arith.constant 0 : index
    %get3A_151 = arith.constant 0 : index
    %get3A_152 = vector.load %arg4[%get3A_150, %get3A_151] : memref<1x128xf32, #tpu.memory_space<vmem>>, vector<1x128xf32>
    %add3A_153 = vector.broadcast %get3A_152 : vector<1x128xf32> to vector<128x128xf32>
    %add3A_154 = arith.addf %dot_general3A_149, %add3A_153 : vector<128x128xf32>
    %max3A_155 = arith.constant 0.000000e+00 : f32
    %max3A_156 = vector.broadcast %max3A_155 : f32 to vector<128x128xf32>
    %max3A_157 = arith.maximumf %add3A_154, %max3A_156 : vector<128x128xf32>
    %dot_general3A_158 = arith.constant dense<0.000000e+00> : vector<128x128xf32>
    %dot_general3A_159 = tpu.matmul %mul3A_137, %max3A_157, %dot_general3A_158 {dimension_numbers = #tpu.dot_dimension_numbers<[1], [0], [0], [1], [0, 0, 1, 1], [], []>, precision = #tpu.contract_precision<fp32>, transpose_lhs_hint = false} : vector<128x128xf32>, vector<128x128xf32>, vector<128x128xf32> -> vector<128x128xf32>
    %get3A_160 = arith.constant 0 : index
    %get3A_161 = arith.constant 0 : index
    %get3A_162 = vector.load %arg5[%get3A_160, %get3A_161] : memref<128x128xf32, #tpu.memory_space<vmem>>, vector<128x128xf32>
    %dot_general3A_163 = arith.constant dense<0.000000e+00> : vector<128x128xf32>
    %dot_general3A_164 = tpu.matmul %dot_general3A_159, %get3A_162, %dot_general3A_163 {dimension_numbers = #tpu.dot_dimension_numbers<[1], [0], [0], [1], [0, 0, 1, 1], [], []>, transpose_lhs_hint = false} : vector<128x128xf32>, vector<128x128xf32>, vector<128x128xf32> -> vector<128x128xf32>
    %get3A_165 = arith.constant 0 : index
    %get3A_166 = arith.constant 0 : index
    %get3A_167 = vector.load %arg6[%get3A_165, %get3A_166] : memref<1x128xf32, #tpu.memory_space<vmem>>, vector<1x128xf32>
    %add3A_168 = vector.broadcast %get3A_167 : vector<1x128xf32> to vector<128x128xf32>
    %add3A_169 = arith.addf %dot_general3A_164, %add3A_168 : vector<128x128xf32>
    %max3A_170 = arith.constant 0.000000e+00 : f32
    %max3A_171 = vector.broadcast %max3A_170 : f32 to vector<128x128xf32>
    %max3A_172 = arith.maximumf %add3A_169, %max3A_171 : vector<128x128xf32>
    %slice3A_173 = vector.extract_strided_slice %max3A_172 {offsets = [0, 127], sizes = [128, 1], strides = [1, 1]} : vector<128x128xf32> to vector<128x1xf32>
    %jit3A_174 = arith.constant -1.000000e+00 : f32
    %broadcast_in_dim3A_175 = vector.broadcast %jit3A_174 : f32 to vector<128x1xf32>
    %select_n3A_176 = arith.select %lt3A_2, %slice3A_173, %broadcast_in_dim3A_175 : vector<128x1xi1>, vector<128x1xf32>
    %transpose3A_177 = tpu.transpose %max3A_172, [1, 0] : vector<128x128xf32> -> vector<128x128xf32>
    %lt3A_178 = arith.constant 100 : i32
    %lt3A_179 = vector.broadcast %lt3A_178 : i32 to vector<1x128xi32>
    %lt3A_180 = arith.cmpi slt, %iota3A_0, %lt3A_179 : vector<1x128xi32>
    %slice3A_181 = vector.extract_strided_slice %transpose3A_177 {offsets = [127, 0], sizes = [1, 128], strides = [1, 1]} : vector<128x128xf32> to vector<1x128xf32>
    %jit3A_182 = arith.constant -1.000000e+00 : f32
    %broadcast_in_dim3A_183 = vector.broadcast %jit3A_182 : f32 to vector<1x128xf32>
    %select_n3A_184 = arith.select %lt3A_180, %slice3A_181, %broadcast_in_dim3A_183 : vector<1x128xi1>, vector<1x128xf32>
    %gt3A_185 = vector.broadcast %select_n3A_176 : vector<128x1xf32> to vector<128x128xf32>
    %gt3A_186 = vector.broadcast %select_n3A_184 : vector<1x128xf32> to vector<128x128xf32>
    %gt3A_187 = arith.cmpf ogt, %gt3A_185, %gt3A_186 : vector<128x128xf32>
    %eq3A_188 = vector.broadcast %select_n3A_176 : vector<128x1xf32> to vector<128x128xf32>
    %eq3A_189 = vector.broadcast %select_n3A_184 : vector<1x128xf32> to vector<128x128xf32>
    %eq3A_190 = arith.cmpf oeq, %eq3A_188, %eq3A_189 : vector<128x128xf32>
    %lt3A_191 = vector.broadcast %iota3A : vector<128x1xi32> to vector<128x128xi32>
    %lt3A_192 = vector.broadcast %iota3A_0 : vector<1x128xi32> to vector<128x128xi32>
    %lt3A_193 = arith.cmpi slt, %lt3A_191, %lt3A_192 : vector<128x128xi32>
    %and3A_194 = arith.andi %eq3A_190, %lt3A_193 : vector<128x128xi1>
    %or3A_195 = arith.ori %gt3A_187, %and3A_194 : vector<128x128xi1>
    %jit3A_196 = arith.constant 1.000000e+00 : f32
    %jit3A_197 = arith.constant 0.000000e+00 : f32
    %broadcast_in_dim3A_198 = vector.broadcast %jit3A_196 : f32 to vector<128x128xf32>
    %broadcast_in_dim3A_199 = vector.broadcast %jit3A_197 : f32 to vector<128x128xf32>
    %select_n3A_200 = arith.select %or3A_195, %broadcast_in_dim3A_198, %broadcast_in_dim3A_199 : vector<128x128xi1>, vector<128x128xf32>
    %dot_general3A_201 = arith.constant dense<0.000000e+00> : vector<1x128xf32>
    %dot_general3A_202 = tpu.matmul %broadcast_in_dim3A_5, %select_n3A_200, %dot_general3A_201 {dimension_numbers = #tpu.dot_dimension_numbers<[1], [0], [0], [1], [0, 0, 1, 1], [], []>, transpose_lhs_hint = false} : vector<1x128xf32>, vector<128x128xf32>, vector<1x128xf32> -> vector<1x128xf32>
    %convert_element_type3A_203 = arith.sitofp %iota3A : vector<128x1xi32> to vector<128x1xf32>
    %eq3A_204 = vector.broadcast %dot_general3A_202 : vector<1x128xf32> to vector<128x128xf32>
    %eq3A_205 = vector.broadcast %convert_element_type3A_203 : vector<128x1xf32> to vector<128x128xf32>
    %eq3A_206 = arith.cmpf oeq, %eq3A_204, %eq3A_205 : vector<128x128xf32>
    %jit3A_207 = arith.constant 1.000000e+00 : f32
    %jit3A_208 = arith.constant 0.000000e+00 : f32
    %broadcast_in_dim3A_209 = vector.broadcast %jit3A_207 : f32 to vector<128x128xf32>
    %broadcast_in_dim3A_210 = vector.broadcast %jit3A_208 : f32 to vector<128x128xf32>
    %select_n3A_211 = arith.select %eq3A_206, %broadcast_in_dim3A_209, %broadcast_in_dim3A_210 : vector<128x128xi1>, vector<128x128xf32>
    %dot_general3A_212 = arith.constant dense<0.000000e+00> : vector<128x128xf32>
    %dot_general3A_213 = tpu.matmul %select_n3A_211, %max3A_172, %dot_general3A_212 {dimension_numbers = #tpu.dot_dimension_numbers<[1], [0], [0], [1], [0, 0, 1, 1], [], []>, transpose_lhs_hint = false} : vector<128x128xf32>, vector<128x128xf32>, vector<128x128xf32> -> vector<128x128xf32>
    %slice3A_214 = vector.extract_strided_slice %dot_general3A_213 {offsets = [0, 0], sizes = [1, 128], strides = [1, 1]} : vector<128x128xf32> to vector<1x128xf32>
    %slice3A_215 = vector.extract_strided_slice %dot_general3A_213 {offsets = [1, 0], sizes = [1, 128], strides = [1, 1]} : vector<128x128xf32> to vector<1x128xf32>
    %slice3A_216 = vector.extract_strided_slice %dot_general3A_213 {offsets = [2, 0], sizes = [1, 128], strides = [1, 1]} : vector<128x128xf32> to vector<1x128xf32>
    %concatenate3A_217 = tpu.concatenate %slice3A_214, %slice3A_215, %slice3A_216 in 1 : vector<1x128xf32>, vector<1x128xf32>, vector<1x128xf32> -> vector<1x384xf32>
    %get3A_218 = arith.constant 0 : index
    %get3A_219 = arith.constant 0 : index
    %get3A_220 = vector.load %arg7[%get3A_218, %get3A_219] : memref<384x128xf32, #tpu.memory_space<vmem>>, vector<384x128xf32>
    %dot_general3A_221 = arith.constant dense<0.000000e+00> : vector<1x128xf32>
    %dot_general3A_222 = tpu.matmul %concatenate3A_217, %get3A_220, %dot_general3A_221 {dimension_numbers = #tpu.dot_dimension_numbers<[1], [0], [0], [1], [0, 0, 1, 1], [], []>, transpose_lhs_hint = false} : vector<1x384xf32>, vector<384x128xf32>, vector<1x128xf32> -> vector<1x128xf32>
    %get3A_223 = arith.constant 0 : index
    %get3A_224 = arith.constant 0 : index
    %get3A_225 = vector.load %arg8[%get3A_223, %get3A_224] : memref<1x128xf32, #tpu.memory_space<vmem>>, vector<1x128xf32>
    %add3A_226 = arith.addf %dot_general3A_222, %get3A_225 : vector<1x128xf32>
    %max3A_227 = arith.constant 0.000000e+00 : f32
    %max3A_228 = vector.broadcast %max3A_227 : f32 to vector<1x128xf32>
    %max3A_229 = arith.maximumf %add3A_226, %max3A_228 : vector<1x128xf32>
    %get3A_230 = arith.constant 0 : index
    %get3A_231 = arith.constant 0 : index
    %get3A_232 = vector.load %arg9[%get3A_230, %get3A_231] : memref<128x128xf32, #tpu.memory_space<vmem>>, vector<128x128xf32>
    %dot_general3A_233 = arith.constant dense<0.000000e+00> : vector<1x128xf32>
    %dot_general3A_234 = tpu.matmul %max3A_229, %get3A_232, %dot_general3A_233 {dimension_numbers = #tpu.dot_dimension_numbers<[1], [0], [0], [1], [0, 0, 1, 1], [], []>, transpose_lhs_hint = false} : vector<1x128xf32>, vector<128x128xf32>, vector<1x128xf32> -> vector<1x128xf32>
    %get3A_235 = arith.constant 0 : index
    %get3A_236 = arith.constant 0 : index
    %get3A_237 = vector.load %arg10[%get3A_235, %get3A_236] : memref<1x128xf32, #tpu.memory_space<vmem>>, vector<1x128xf32>
    %add3A_238 = arith.addf %dot_general3A_234, %get3A_237 : vector<1x128xf32>
    %swap3A_239 = arith.constant 1 : index
    %swap3A_240 = arith.constant 0 : index
    %swap3A_241 = arith.constant 0 : index
    %swap3A_242 = vector.load %arg11[%swap3A_239, %swap3A_240, %swap3A_241] : memref<10x1x128xf32, #tpu.memory_space<vmem>>, vector<1x1x128xf32>
    %swap3A_243 = vector.shape_cast %swap3A_242 : vector<1x1x128xf32> to vector<1x128xf32>
    %swap3A_244 = vector.shape_cast %add3A_238 : vector<1x128xf32> to vector<1x1x128xf32>
    tpu.vector_store %arg11[%swap3A_239, %swap3A_240, %swap3A_241], %swap3A_244 {strides = array<i32>} : memref<10x1x128xf32, #tpu.memory_space<vmem>>, vector<1x1x128xf32>,
    %get3A_245 = arith.constant 2 : index
    %get3A_246 = arith.constant 0 : index
    %get3A_247 = arith.constant 0 : index
    %get3A_248 = vector.load %arg1[%get3A_245, %get3A_246, %get3A_247] : memref<10x128x128xf32, #tpu.memory_space<vmem>>, vector<1x128x128xf32>
    %get3A_249 = vector.shape_cast %get3A_248 : vector<1x128x128xf32> to vector<128x128xf32>
    %dot_general3A_250 = arith.constant dense<0.000000e+00> : vector<128x1xf32>
    %dot_general3A_251 = tpu.matmul %get3A_249, %broadcast_in_dim3A_3, %dot_general3A_250 {dimension_numbers = #tpu.dot_dimension_numbers<[1], [0], [0], [1], [0, 0, 1, 1], [], []>, transpose_lhs_hint = false} : vector<128x128xf32>, vector<128x1xf32>, vector<128x1xf32> -> vector<128x1xf32>
    %dot_general3A_252 = arith.constant dense<0.000000e+00> : vector<1x128xf32>
    %dot_general3A_253 = tpu.matmul %broadcast_in_dim3A_5, %get3A_249, %dot_general3A_252 {dimension_numbers = #tpu.dot_dimension_numbers<[1], [0], [0], [1], [0, 0, 1, 1], [], []>, transpose_lhs_hint = false} : vector<1x128xf32>, vector<128x128xf32>, vector<1x128xf32> -> vector<1x128xf32>
    %max3A_254 = arith.constant 1.000000e+00 : f32
    %max3A_255 = vector.broadcast %max3A_254 : f32 to vector<128x1xf32>
    %max3A_256 = arith.maximumf %dot_general3A_251, %max3A_255 : vector<128x1xf32>
    %rsqrt3A_257 = math.rsqrt %max3A_256 : vector<128x1xf32>
    %max3A_258 = arith.constant 1.000000e+00 : f32
    %max3A_259 = vector.broadcast %max3A_258 : f32 to vector<1x128xf32>
    %max3A_260 = arith.maximumf %dot_general3A_253, %max3A_259 : vector<1x128xf32>
    %rsqrt3A_261 = math.rsqrt %max3A_260 : vector<1x128xf32>
    %mul3A_262 = vector.broadcast %rsqrt3A_257 : vector<128x1xf32> to vector<128x128xf32>
    %mul3A_263 = arith.mulf %get3A_249, %mul3A_262 : vector<128x128xf32>
    %mul3A_264 = vector.broadcast %rsqrt3A_261 : vector<1x128xf32> to vector<128x128xf32>
    %mul3A_265 = arith.mulf %mul3A_263, %mul3A_264 : vector<128x128xf32>
    %get3A_266 = arith.constant 2 : index
    %get3A_267 = arith.constant 0 : index
    %get3A_268 = arith.constant 0 : index
    %get3A_269 = vector.load %arg2[%get3A_266, %get3A_267, %get3A_268] : memref<10x128x128xf32, #tpu.memory_space<vmem>>, vector<1x128x128xf32>
    %get3A_270 = vector.shape_cast %get3A_269 : vector<1x128x128xf32> to vector<128x128xf32>
    %dot_general3A_271 = arith.constant dense<0.000000e+00> : vector<128x128xf32>
    %dot_general3A_272 = tpu.matmul %mul3A_265, %get3A_270, %dot_general3A_271 {dimension_numbers = #tpu.dot_dimension_numbers<[1], [0], [0], [1], [0, 0, 1, 1], [], []>, precision = #tpu.contract_precision<fp32>, transpose_lhs_hint = false} : vector<128x128xf32>, vector<128x128xf32>, vector<128x128xf32> -> vector<128x128xf32>
    %get3A_273 = arith.constant 0 : index
    %get3A_274 = arith.constant 0 : index
    %get3A_275 = vector.load %arg3[%get3A_273, %get3A_274] : memref<128x128xf32, #tpu.memory_space<vmem>>, vector<128x128xf32>
    %dot_general3A_276 = arith.constant dense<0.000000e+00> : vector<128x128xf32>
    %dot_general3A_277 = tpu.matmul %dot_general3A_272, %get3A_275, %dot_general3A_276 {dimension_numbers = #tpu.dot_dimension_numbers<[1], [0], [0], [1], [0, 0, 1, 1], [], []>, transpose_lhs_hint = false} : vector<128x128xf32>, vector<128x128xf32>, vector<128x128xf32> -> vector<128x128xf32>
    %get3A_278 = arith.constant 0 : index
    %get3A_279 = arith.constant 0 : index
    %get3A_280 = vector.load %arg4[%get3A_278, %get3A_279] : memref<1x128xf32, #tpu.memory_space<vmem>>, vector<1x128xf32>
    %add3A_281 = vector.broadcast %get3A_280 : vector<1x128xf32> to vector<128x128xf32>
    %add3A_282 = arith.addf %dot_general3A_277, %add3A_281 : vector<128x128xf32>
    %max3A_283 = arith.constant 0.000000e+00 : f32
    %max3A_284 = vector.broadcast %max3A_283 : f32 to vector<128x128xf32>
    %max3A_285 = arith.maximumf %add3A_282, %max3A_284 : vector<128x128xf32>
    %dot_general3A_286 = arith.constant dense<0.000000e+00> : vector<128x128xf32>
    %dot_general3A_287 = tpu.matmul %mul3A_265, %max3A_285, %dot_general3A_286 {dimension_numbers = #tpu.dot_dimension_numbers<[1], [0], [0], [1], [0, 0, 1, 1], [], []>, precision = #tpu.contract_precision<fp32>, transpose_lhs_hint = false} : vector<128x128xf32>, vector<128x128xf32>, vector<128x128xf32> -> vector<128x128xf32>
    %get3A_288 = arith.constant 0 : index
    %get3A_289 = arith.constant 0 : index
    %get3A_290 = vector.load %arg5[%get3A_288, %get3A_289] : memref<128x128xf32, #tpu.memory_space<vmem>>, vector<128x128xf32>
    %dot_general3A_291 = arith.constant dense<0.000000e+00> : vector<128x128xf32>
    %dot_general3A_292 = tpu.matmul %dot_general3A_287, %get3A_290, %dot_general3A_291 {dimension_numbers = #tpu.dot_dimension_numbers<[1], [0], [0], [1], [0, 0, 1, 1], [], []>, transpose_lhs_hint = false} : vector<128x128xf32>, vector<128x128xf32>, vector<128x128xf32> -> vector<128x128xf32>
    %get3A_293 = arith.constant 0 : index
    %get3A_294 = arith.constant 0 : index
    %get3A_295 = vector.load %arg6[%get3A_293, %get3A_294] : memref<1x128xf32, #tpu.memory_space<vmem>>, vector<1x128xf32>
    %add3A_296 = vector.broadcast %get3A_295 : vector<1x128xf32> to vector<128x128xf32>
    %add3A_297 = arith.addf %dot_general3A_292, %add3A_296 : vector<128x128xf32>
    %max3A_298 = arith.constant 0.000000e+00 : f32
    %max3A_299 = vector.broadcast %max3A_298 : f32 to vector<128x128xf32>
    %max3A_300 = arith.maximumf %add3A_297, %max3A_299 : vector<128x128xf32>
    %slice3A_301 = vector.extract_strided_slice %max3A_300 {offsets = [0, 127], sizes = [128, 1], strides = [1, 1]} : vector<128x128xf32> to vector<128x1xf32>
    %jit3A_302 = arith.constant -1.000000e+00 : f32
    %broadcast_in_dim3A_303 = vector.broadcast %jit3A_302 : f32 to vector<128x1xf32>
    %select_n3A_304 = arith.select %lt3A_2, %slice3A_301, %broadcast_in_dim3A_303 : vector<128x1xi1>, vector<128x1xf32>
    %transpose3A_305 = tpu.transpose %max3A_300, [1, 0] : vector<128x128xf32> -> vector<128x128xf32>
    %lt3A_306 = arith.constant 100 : i32
    %lt3A_307 = vector.broadcast %lt3A_306 : i32 to vector<1x128xi32>
    %lt3A_308 = arith.cmpi slt, %iota3A_0, %lt3A_307 : vector<1x128xi32>
    %slice3A_309 = vector.extract_strided_slice %transpose3A_305 {offsets = [127, 0], sizes = [1, 128], strides = [1, 1]} : vector<128x128xf32> to vector<1x128xf32>
    %jit3A_310 = arith.constant -1.000000e+00 : f32
    %broadcast_in_dim3A_311 = vector.broadcast %jit3A_310 : f32 to vector<1x128xf32>
    %select_n3A_312 = arith.select %lt3A_308, %slice3A_309, %broadcast_in_dim3A_311 : vector<1x128xi1>, vector<1x128xf32>
    %gt3A_313 = vector.broadcast %select_n3A_304 : vector<128x1xf32> to vector<128x128xf32>
    %gt3A_314 = vector.broadcast %select_n3A_312 : vector<1x128xf32> to vector<128x128xf32>
    %gt3A_315 = arith.cmpf ogt, %gt3A_313, %gt3A_314 : vector<128x128xf32>
    %eq3A_316 = vector.broadcast %select_n3A_304 : vector<128x1xf32> to vector<128x128xf32>
    %eq3A_317 = vector.broadcast %select_n3A_312 : vector<1x128xf32> to vector<128x128xf32>
    %eq3A_318 = arith.cmpf oeq, %eq3A_316, %eq3A_317 : vector<128x128xf32>
    %lt3A_319 = vector.broadcast %iota3A : vector<128x1xi32> to vector<128x128xi32>
    %lt3A_320 = vector.broadcast %iota3A_0 : vector<1x128xi32> to vector<128x128xi32>
    %lt3A_321 = arith.cmpi slt, %lt3A_319, %lt3A_320 : vector<128x128xi32>
    %and3A_322 = arith.andi %eq3A_318, %lt3A_321 : vector<128x128xi1>
    %or3A_323 = arith.ori %gt3A_315, %and3A_322 : vector<128x128xi1>
    %jit3A_324 = arith.constant 1.000000e+00 : f32
    %jit3A_325 = arith.constant 0.000000e+00 : f32
    %broadcast_in_dim3A_326 = vector.broadcast %jit3A_324 : f32 to vector<128x128xf32>
    %broadcast_in_dim3A_327 = vector.broadcast %jit3A_325 : f32 to vector<128x128xf32>
    %select_n3A_328 = arith.select %or3A_323, %broadcast_in_dim3A_326, %broadcast_in_dim3A_327 : vector<128x128xi1>, vector<128x128xf32>
    %dot_general3A_329 = arith.constant dense<0.000000e+00> : vector<1x128xf32>
    %dot_general3A_330 = tpu.matmul %broadcast_in_dim3A_5, %select_n3A_328, %dot_general3A_329 {dimension_numbers = #tpu.dot_dimension_numbers<[1], [0], [0], [1], [0, 0, 1, 1], [], []>, transpose_lhs_hint = false} : vector<1x128xf32>, vector<128x128xf32>, vector<1x128xf32> -> vector<1x128xf32>
    %convert_element_type3A_331 = arith.sitofp %iota3A : vector<128x1xi32> to vector<128x1xf32>
    %eq3A_332 = vector.broadcast %dot_general3A_330 : vector<1x128xf32> to vector<128x128xf32>
    %eq3A_333 = vector.broadcast %convert_element_type3A_331 : vector<128x1xf32> to vector<128x128xf32>
    %eq3A_334 = arith.cmpf oeq, %eq3A_332, %eq3A_333 : vector<128x128xf32>
    %jit3A_335 = arith.constant 1.000000e+00 : f32
    %jit3A_336 = arith.constant 0.000000e+00 : f32
    %broadcast_in_dim3A_337 = vector.broadcast %jit3A_335 : f32 to vector<128x128xf32>
    %broadcast_in_dim3A_338 = vector.broadcast %jit3A_336 : f32 to vector<128x128xf32>
    %select_n3A_339 = arith.select %eq3A_334, %broadcast_in_dim3A_337, %broadcast_in_dim3A_338 : vector<128x128xi1>, vector<128x128xf32>
    %dot_general3A_340 = arith.constant dense<0.000000e+00> : vector<128x128xf32>
    %dot_general3A_341 = tpu.matmul %select_n3A_339, %max3A_300, %dot_general3A_340 {dimension_numbers = #tpu.dot_dimension_numbers<[1], [0], [0], [1], [0, 0, 1, 1], [], []>, transpose_lhs_hint = false} : vector<128x128xf32>, vector<128x128xf32>, vector<128x128xf32> -> vector<128x128xf32>
    %slice3A_342 = vector.extract_strided_slice %dot_general3A_341 {offsets = [0, 0], sizes = [1, 128], strides = [1, 1]} : vector<128x128xf32> to vector<1x128xf32>
    %slice3A_343 = vector.extract_strided_slice %dot_general3A_341 {offsets = [1, 0], sizes = [1, 128], strides = [1, 1]} : vector<128x128xf32> to vector<1x128xf32>
    %slice3A_344 = vector.extract_strided_slice %dot_general3A_341 {offsets = [2, 0], sizes = [1, 128], strides = [1, 1]} : vector<128x128xf32> to vector<1x128xf32>
    %concatenate3A_345 = tpu.concatenate %slice3A_342, %slice3A_343, %slice3A_344 in 1 : vector<1x128xf32>, vector<1x128xf32>, vector<1x128xf32> -> vector<1x384xf32>
    %get3A_346 = arith.constant 0 : index
    %get3A_347 = arith.constant 0 : index
    %get3A_348 = vector.load %arg7[%get3A_346, %get3A_347] : memref<384x128xf32, #tpu.memory_space<vmem>>, vector<384x128xf32>
    %dot_general3A_349 = arith.constant dense<0.000000e+00> : vector<1x128xf32>
    %dot_general3A_350 = tpu.matmul %concatenate3A_345, %get3A_348, %dot_general3A_349 {dimension_numbers = #tpu.dot_dimension_numbers<[1], [0], [0], [1], [0, 0, 1, 1], [], []>, transpose_lhs_hint = false} : vector<1x384xf32>, vector<384x128xf32>, vector<1x128xf32> -> vector<1x128xf32>
    %get3A_351 = arith.constant 0 : index
    %get3A_352 = arith.constant 0 : index
    %get3A_353 = vector.load %arg8[%get3A_351, %get3A_352] : memref<1x128xf32, #tpu.memory_space<vmem>>, vector<1x128xf32>
    %add3A_354 = arith.addf %dot_general3A_350, %get3A_353 : vector<1x128xf32>
    %max3A_355 = arith.constant 0.000000e+00 : f32
    %max3A_356 = vector.broadcast %max3A_355 : f32 to vector<1x128xf32>
    %max3A_357 = arith.maximumf %add3A_354, %max3A_356 : vector<1x128xf32>
    %get3A_358 = arith.constant 0 : index
    %get3A_359 = arith.constant 0 : index
    %get3A_360 = vector.load %arg9[%get3A_358, %get3A_359] : memref<128x128xf32, #tpu.memory_space<vmem>>, vector<128x128xf32>
    %dot_general3A_361 = arith.constant dense<0.000000e+00> : vector<1x128xf32>
    %dot_general3A_362 = tpu.matmul %max3A_357, %get3A_360, %dot_general3A_361 {dimension_numbers = #tpu.dot_dimension_numbers<[1], [0], [0], [1], [0, 0, 1, 1], [], []>, transpose_lhs_hint = false} : vector<1x128xf32>, vector<128x128xf32>, vector<1x128xf32> -> vector<1x128xf32>
    %get3A_363 = arith.constant 0 : index
    %get3A_364 = arith.constant 0 : index
    %get3A_365 = vector.load %arg10[%get3A_363, %get3A_364] : memref<1x128xf32, #tpu.memory_space<vmem>>, vector<1x128xf32>
    %add3A_366 = arith.addf %dot_general3A_362, %get3A_365 : vector<1x128xf32>
    %swap3A_367 = arith.constant 2 : index
    %swap3A_368 = arith.constant 0 : index
    %swap3A_369 = arith.constant 0 : index
    %swap3A_370 = vector.load %arg11[%swap3A_367, %swap3A_368, %swap3A_369] : memref<10x1x128xf32, #tpu.memory_space<vmem>>, vector<1x1x128xf32>
    %swap3A_371 = vector.shape_cast %swap3A_370 : vector<1x1x128xf32> to vector<1x128xf32>
    %swap3A_372 = vector.shape_cast %add3A_366 : vector<1x128xf32> to vector<1x1x128xf32>
    tpu.vector_store %arg11[%swap3A_367, %swap3A_368, %swap3A_369], %swap3A_372 {strides = array<i32>} : memref<10x1x128xf32, #tpu.memory_space<vmem>>, vector<1x1x128xf32>,
    %get3A_373 = arith.constant 3 : index
    %get3A_374 = arith.constant 0 : index
    %get3A_375 = arith.constant 0 : index
    %get3A_376 = vector.load %arg1[%get3A_373, %get3A_374, %get3A_375] : memref<10x128x128xf32, #tpu.memory_space<vmem>>, vector<1x128x128xf32>
    %get3A_377 = vector.shape_cast %get3A_376 : vector<1x128x128xf32> to vector<128x128xf32>
    %dot_general3A_378 = arith.constant dense<0.000000e+00> : vector<128x1xf32>
    %dot_general3A_379 = tpu.matmul %get3A_377, %broadcast_in_dim3A_3, %dot_general3A_378 {dimension_numbers = #tpu.dot_dimension_numbers<[1], [0], [0], [1], [0, 0, 1, 1], [], []>, transpose_lhs_hint = false} : vector<128x128xf32>, vector<128x1xf32>, vector<128x1xf32> -> vector<128x1xf32>
    %dot_general3A_380 = arith.constant dense<0.000000e+00> : vector<1x128xf32>
    %dot_general3A_381 = tpu.matmul %broadcast_in_dim3A_5, %get3A_377, %dot_general3A_380 {dimension_numbers = #tpu.dot_dimension_numbers<[1], [0], [0], [1], [0, 0, 1, 1], [], []>, transpose_lhs_hint = false} : vector<1x128xf32>, vector<128x128xf32>, vector<1x128xf32> -> vector<1x128xf32>
    %max3A_382 = arith.constant 1.000000e+00 : f32
    %max3A_383 = vector.broadcast %max3A_382 : f32 to vector<128x1xf32>
    %max3A_384 = arith.maximumf %dot_general3A_379, %max3A_383 : vector<128x1xf32>
    %rsqrt3A_385 = math.rsqrt %max3A_384 : vector<128x1xf32>
    %max3A_386 = arith.constant 1.000000e+00 : f32
    %max3A_387 = vector.broadcast %max3A_386 : f32 to vector<1x128xf32>
    %max3A_388 = arith.maximumf %dot_general3A_381, %max3A_387 : vector<1x128xf32>
    %rsqrt3A_389 = math.rsqrt %max3A_388 : vector<1x128xf32>
    %mul3A_390 = vector.broadcast %rsqrt3A_385 : vector<128x1xf32> to vector<128x128xf32>
    %mul3A_391 = arith.mulf %get3A_377, %mul3A_390 : vector<128x128xf32>
    %mul3A_392 = vector.broadcast %rsqrt3A_389 : vector<1x128xf32> to vector<128x128xf32>
    %mul3A_393 = arith.mulf %mul3A_391, %mul3A_392 : vector<128x128xf32>
    %get3A_394 = arith.constant 3 : index
    %get3A_395 = arith.constant 0 : index
    %get3A_396 = arith.constant 0 : index
    %get3A_397 = vector.load %arg2[%get3A_394, %get3A_395, %get3A_396] : memref<10x128x128xf32, #tpu.memory_space<vmem>>, vector<1x128x128xf32>
    %get3A_398 = vector.shape_cast %get3A_397 : vector<1x128x128xf32> to vector<128x128xf32>
    %dot_general3A_399 = arith.constant dense<0.000000e+00> : vector<128x128xf32>
    %dot_general3A_400 = tpu.matmul %mul3A_393, %get3A_398, %dot_general3A_399 {dimension_numbers = #tpu.dot_dimension_numbers<[1], [0], [0], [1], [0, 0, 1, 1], [], []>, precision = #tpu.contract_precision<fp32>, transpose_lhs_hint = false} : vector<128x128xf32>, vector<128x128xf32>, vector<128x128xf32> -> vector<128x128xf32>
    %get3A_401 = arith.constant 0 : index
    %get3A_402 = arith.constant 0 : index
    %get3A_403 = vector.load %arg3[%get3A_401, %get3A_402] : memref<128x128xf32, #tpu.memory_space<vmem>>, vector<128x128xf32>
    %dot_general3A_404 = arith.constant dense<0.000000e+00> : vector<128x128xf32>
    %dot_general3A_405 = tpu.matmul %dot_general3A_400, %get3A_403, %dot_general3A_404 {dimension_numbers = #tpu.dot_dimension_numbers<[1], [0], [0], [1], [0, 0, 1, 1], [], []>, transpose_lhs_hint = false} : vector<128x128xf32>, vector<128x128xf32>, vector<128x128xf32> -> vector<128x128xf32>
    %get3A_406 = arith.constant 0 : index
    %get3A_407 = arith.constant 0 : index
    %get3A_408 = vector.load %arg4[%get3A_406, %get3A_407] : memref<1x128xf32, #tpu.memory_space<vmem>>, vector<1x128xf32>
    %add3A_409 = vector.broadcast %get3A_408 : vector<1x128xf32> to vector<128x128xf32>
    %add3A_410 = arith.addf %dot_general3A_405, %add3A_409 : vector<128x128xf32>
    %max3A_411 = arith.constant 0.000000e+00 : f32
    %max3A_412 = vector.broadcast %max3A_411 : f32 to vector<128x128xf32>
    %max3A_413 = arith.maximumf %add3A_410, %max3A_412 : vector<128x128xf32>
    %dot_general3A_414 = arith.constant dense<0.000000e+00> : vector<128x128xf32>
    %dot_general3A_415 = tpu.matmul %mul3A_393, %max3A_413, %dot_general3A_414 {dimension_numbers = #tpu.dot_dimension_numbers<[1], [0], [0], [1], [0, 0, 1, 1], [], []>, precision = #tpu.contract_precision<fp32>, transpose_lhs_hint = false} : vector<128x128xf32>, vector<128x128xf32>, vector<128x128xf32> -> vector<128x128xf32>
    %get3A_416 = arith.constant 0 : index
    %get3A_417 = arith.constant 0 : index
    %get3A_418 = vector.load %arg5[%get3A_416, %get3A_417] : memref<128x128xf32, #tpu.memory_space<vmem>>, vector<128x128xf32>
    %dot_general3A_419 = arith.constant dense<0.000000e+00> : vector<128x128xf32>
    %dot_general3A_420 = tpu.matmul %dot_general3A_415, %get3A_418, %dot_general3A_419 {dimension_numbers = #tpu.dot_dimension_numbers<[1], [0], [0], [1], [0, 0, 1, 1], [], []>, transpose_lhs_hint = false} : vector<128x128xf32>, vector<128x128xf32>, vector<128x128xf32> -> vector<128x128xf32>
    %get3A_421 = arith.constant 0 : index
    %get3A_422 = arith.constant 0 : index
    %get3A_423 = vector.load %arg6[%get3A_421, %get3A_422] : memref<1x128xf32, #tpu.memory_space<vmem>>, vector<1x128xf32>
    %add3A_424 = vector.broadcast %get3A_423 : vector<1x128xf32> to vector<128x128xf32>
    %add3A_425 = arith.addf %dot_general3A_420, %add3A_424 : vector<128x128xf32>
    %max3A_426 = arith.constant 0.000000e+00 : f32
    %max3A_427 = vector.broadcast %max3A_426 : f32 to vector<128x128xf32>
    %max3A_428 = arith.maximumf %add3A_425, %max3A_427 : vector<128x128xf32>
    %slice3A_429 = vector.extract_strided_slice %max3A_428 {offsets = [0, 127], sizes = [128, 1], strides = [1, 1]} : vector<128x128xf32> to vector<128x1xf32>
    %jit3A_430 = arith.constant -1.000000e+00 : f32
    %broadcast_in_dim3A_431 = vector.broadcast %jit3A_430 : f32 to vector<128x1xf32>
    %select_n3A_432 = arith.select %lt3A_2, %slice3A_429, %broadcast_in_dim3A_431 : vector<128x1xi1>, vector<128x1xf32>
    %transpose3A_433 = tpu.transpose %max3A_428, [1, 0] : vector<128x128xf32> -> vector<128x128xf32>
    %lt3A_434 = arith.constant 100 : i32
    %lt3A_435 = vector.broadcast %lt3A_434 : i32 to vector<1x128xi32>
    %lt3A_436 = arith.cmpi slt, %iota3A_0, %lt3A_435 : vector<1x128xi32>
    %slice3A_437 = vector.extract_strided_slice %transpose3A_433 {offsets = [127, 0], sizes = [1, 128], strides = [1, 1]} : vector<128x128xf32> to vector<1x128xf32>
    %jit3A_438 = arith.constant -1.000000e+00 : f32
    %broadcast_in_dim3A_439 = vector.broadcast %jit3A_438 : f32 to vector<1x128xf32>
    %select_n3A_440 = arith.select %lt3A_436, %slice3A_437, %broadcast_in_dim3A_439 : vector<1x128xi1>, vector<1x128xf32>
    %gt3A_441 = vector.broadcast %select_n3A_432 : vector<128x1xf32> to vector<128x128xf32>
    %gt3A_442 = vector.broadcast %select_n3A_440 : vector<1x128xf32> to vector<128x128xf32>
    %gt3A_443 = arith.cmpf ogt, %gt3A_441, %gt3A_442 : vector<128x128xf32>
    %eq3A_444 = vector.broadcast %select_n3A_432 : vector<128x1xf32> to vector<128x128xf32>
    %eq3A_445 = vector.broadcast %select_n3A_440 : vector<1x128xf32> to vector<128x128xf32>
    %eq3A_446 = arith.cmpf oeq, %eq3A_444, %eq3A_445 : vector<128x128xf32>
    %lt3A_447 = vector.broadcast %iota3A : vector<128x1xi32> to vector<128x128xi32>
    %lt3A_448 = vector.broadcast %iota3A_0 : vector<1x128xi32> to vector<128x128xi32>
    %lt3A_449 = arith.cmpi slt, %lt3A_447, %lt3A_448 : vector<128x128xi32>
    %and3A_450 = arith.andi %eq3A_446, %lt3A_449 : vector<128x128xi1>
    %or3A_451 = arith.ori %gt3A_443, %and3A_450 : vector<128x128xi1>
    %jit3A_452 = arith.constant 1.000000e+00 : f32
    %jit3A_453 = arith.constant 0.000000e+00 : f32
    %broadcast_in_dim3A_454 = vector.broadcast %jit3A_452 : f32 to vector<128x128xf32>
    %broadcast_in_dim3A_455 = vector.broadcast %jit3A_453 : f32 to vector<128x128xf32>
    %select_n3A_456 = arith.select %or3A_451, %broadcast_in_dim3A_454, %broadcast_in_dim3A_455 : vector<128x128xi1>, vector<128x128xf32>
    %dot_general3A_457 = arith.constant dense<0.000000e+00> : vector<1x128xf32>
    %dot_general3A_458 = tpu.matmul %broadcast_in_dim3A_5, %select_n3A_456, %dot_general3A_457 {dimension_numbers = #tpu.dot_dimension_numbers<[1], [0], [0], [1], [0, 0, 1, 1], [], []>, transpose_lhs_hint = false} : vector<1x128xf32>, vector<128x128xf32>, vector<1x128xf32> -> vector<1x128xf32>
    %convert_element_type3A_459 = arith.sitofp %iota3A : vector<128x1xi32> to vector<128x1xf32>
    %eq3A_460 = vector.broadcast %dot_general3A_458 : vector<1x128xf32> to vector<128x128xf32>
    %eq3A_461 = vector.broadcast %convert_element_type3A_459 : vector<128x1xf32> to vector<128x128xf32>
    %eq3A_462 = arith.cmpf oeq, %eq3A_460, %eq3A_461 : vector<128x128xf32>
    %jit3A_463 = arith.constant 1.000000e+00 : f32
    %jit3A_464 = arith.constant 0.000000e+00 : f32
    %broadcast_in_dim3A_465 = vector.broadcast %jit3A_463 : f32 to vector<128x128xf32>
    %broadcast_in_dim3A_466 = vector.broadcast %jit3A_464 : f32 to vector<128x128xf32>
    %select_n3A_467 = arith.select %eq3A_462, %broadcast_in_dim3A_465, %broadcast_in_dim3A_466 : vector<128x128xi1>, vector<128x128xf32>
    %dot_general3A_468 = arith.constant dense<0.000000e+00> : vector<128x128xf32>
    %dot_general3A_469 = tpu.matmul %select_n3A_467, %max3A_428, %dot_general3A_468 {dimension_numbers = #tpu.dot_dimension_numbers<[1], [0], [0], [1], [0, 0, 1, 1], [], []>, transpose_lhs_hint = false} : vector<128x128xf32>, vector<128x128xf32>, vector<128x128xf32> -> vector<128x128xf32>
    %slice3A_470 = vector.extract_strided_slice %dot_general3A_469 {offsets = [0, 0], sizes = [1, 128], strides = [1, 1]} : vector<128x128xf32> to vector<1x128xf32>
    %slice3A_471 = vector.extract_strided_slice %dot_general3A_469 {offsets = [1, 0], sizes = [1, 128], strides = [1, 1]} : vector<128x128xf32> to vector<1x128xf32>
    %slice3A_472 = vector.extract_strided_slice %dot_general3A_469 {offsets = [2, 0], sizes = [1, 128], strides = [1, 1]} : vector<128x128xf32> to vector<1x128xf32>
    %concatenate3A_473 = tpu.concatenate %slice3A_470, %slice3A_471, %slice3A_472 in 1 : vector<1x128xf32>, vector<1x128xf32>, vector<1x128xf32> -> vector<1x384xf32>
    %get3A_474 = arith.constant 0 : index
    %get3A_475 = arith.constant 0 : index
    %get3A_476 = vector.load %arg7[%get3A_474, %get3A_475] : memref<384x128xf32, #tpu.memory_space<vmem>>, vector<384x128xf32>
    %dot_general3A_477 = arith.constant dense<0.000000e+00> : vector<1x128xf32>
    %dot_general3A_478 = tpu.matmul %concatenate3A_473, %get3A_476, %dot_general3A_477 {dimension_numbers = #tpu.dot_dimension_numbers<[1], [0], [0], [1], [0, 0, 1, 1], [], []>, transpose_lhs_hint = false} : vector<1x384xf32>, vector<384x128xf32>, vector<1x128xf32> -> vector<1x128xf32>
    %get3A_479 = arith.constant 0 : index
    %get3A_480 = arith.constant 0 : index
    %get3A_481 = vector.load %arg8[%get3A_479, %get3A_480] : memref<1x128xf32, #tpu.memory_space<vmem>>, vector<1x128xf32>
    %add3A_482 = arith.addf %dot_general3A_478, %get3A_481 : vector<1x128xf32>
    %max3A_483 = arith.constant 0.000000e+00 : f32
    %max3A_484 = vector.broadcast %max3A_483 : f32 to vector<1x128xf32>
    %max3A_485 = arith.maximumf %add3A_482, %max3A_484 : vector<1x128xf32>
    %get3A_486 = arith.constant 0 : index
    %get3A_487 = arith.constant 0 : index
    %get3A_488 = vector.load %arg9[%get3A_486, %get3A_487] : memref<128x128xf32, #tpu.memory_space<vmem>>, vector<128x128xf32>
    %dot_general3A_489 = arith.constant dense<0.000000e+00> : vector<1x128xf32>
    %dot_general3A_490 = tpu.matmul %max3A_485, %get3A_488, %dot_general3A_489 {dimension_numbers = #tpu.dot_dimension_numbers<[1], [0], [0], [1], [0, 0, 1, 1], [], []>, transpose_lhs_hint = false} : vector<1x128xf32>, vector<128x128xf32>, vector<1x128xf32> -> vector<1x128xf32>
    %get3A_491 = arith.constant 0 : index
    %get3A_492 = arith.constant 0 : index
    %get3A_493 = vector.load %arg10[%get3A_491, %get3A_492] : memref<1x128xf32, #tpu.memory_space<vmem>>, vector<1x128xf32>
    %add3A_494 = arith.addf %dot_general3A_490, %get3A_493 : vector<1x128xf32>
    %swap3A_495 = arith.constant 3 : index
    %swap3A_496 = arith.constant 0 : index
    %swap3A_497 = arith.constant 0 : index
    %swap3A_498 = vector.load %arg11[%swap3A_495, %swap3A_496, %swap3A_497] : memref<10x1x128xf32, #tpu.memory_space<vmem>>, vector<1x1x128xf32>
    %swap3A_499 = vector.shape_cast %swap3A_498 : vector<1x1x128xf32> to vector<1x128xf32>
    %swap3A_500 = vector.shape_cast %add3A_494 : vector<1x128xf32> to vector<1x1x128xf32>
    tpu.vector_store %arg11[%swap3A_495, %swap3A_496, %swap3A_497], %swap3A_500 {strides = array<i32>} : memref<10x1x128xf32, #tpu.memory_space<vmem>>, vector<1x1x128xf32>,
    %get3A_501 = arith.constant 4 : index
    %get3A_502 = arith.constant 0 : index
    %get3A_503 = arith.constant 0 : index
    %get3A_504 = vector.load %arg1[%get3A_501, %get3A_502, %get3A_503] : memref<10x128x128xf32, #tpu.memory_space<vmem>>, vector<1x128x128xf32>
    %get3A_505 = vector.shape_cast %get3A_504 : vector<1x128x128xf32> to vector<128x128xf32>
    %dot_general3A_506 = arith.constant dense<0.000000e+00> : vector<128x1xf32>
    %dot_general3A_507 = tpu.matmul %get3A_505, %broadcast_in_dim3A_3, %dot_general3A_506 {dimension_numbers = #tpu.dot_dimension_numbers<[1], [0], [0], [1], [0, 0, 1, 1], [], []>, transpose_lhs_hint = false} : vector<128x128xf32>, vector<128x1xf32>, vector<128x1xf32> -> vector<128x1xf32>
    %dot_general3A_508 = arith.constant dense<0.000000e+00> : vector<1x128xf32>
    %dot_general3A_509 = tpu.matmul %broadcast_in_dim3A_5, %get3A_505, %dot_general3A_508 {dimension_numbers = #tpu.dot_dimension_numbers<[1], [0], [0], [1], [0, 0, 1, 1], [], []>, transpose_lhs_hint = false} : vector<1x128xf32>, vector<128x128xf32>, vector<1x128xf32> -> vector<1x128xf32>
    %max3A_510 = arith.constant 1.000000e+00 : f32
    %max3A_511 = vector.broadcast %max3A_510 : f32 to vector<128x1xf32>
    %max3A_512 = arith.maximumf %dot_general3A_507, %max3A_511 : vector<128x1xf32>
    %rsqrt3A_513 = math.rsqrt %max3A_512 : vector<128x1xf32>
    %max3A_514 = arith.constant 1.000000e+00 : f32
    %max3A_515 = vector.broadcast %max3A_514 : f32 to vector<1x128xf32>
    %max3A_516 = arith.maximumf %dot_general3A_509, %max3A_515 : vector<1x128xf32>
    %rsqrt3A_517 = math.rsqrt %max3A_516 : vector<1x128xf32>
    %mul3A_518 = vector.broadcast %rsqrt3A_513 : vector<128x1xf32> to vector<128x128xf32>
    %mul3A_519 = arith.mulf %get3A_505, %mul3A_518 : vector<128x128xf32>
    %mul3A_520 = vector.broadcast %rsqrt3A_517 : vector<1x128xf32> to vector<128x128xf32>
    %mul3A_521 = arith.mulf %mul3A_519, %mul3A_520 : vector<128x128xf32>
    %get3A_522 = arith.constant 4 : index
    %get3A_523 = arith.constant 0 : index
    %get3A_524 = arith.constant 0 : index
    %get3A_525 = vector.load %arg2[%get3A_522, %get3A_523, %get3A_524] : memref<10x128x128xf32, #tpu.memory_space<vmem>>, vector<1x128x128xf32>
    %get3A_526 = vector.shape_cast %get3A_525 : vector<1x128x128xf32> to vector<128x128xf32>
    %dot_general3A_527 = arith.constant dense<0.000000e+00> : vector<128x128xf32>
    %dot_general3A_528 = tpu.matmul %mul3A_521, %get3A_526, %dot_general3A_527 {dimension_numbers = #tpu.dot_dimension_numbers<[1], [0], [0], [1], [0, 0, 1, 1], [], []>, precision = #tpu.contract_precision<fp32>, transpose_lhs_hint = false} : vector<128x128xf32>, vector<128x128xf32>, vector<128x128xf32> -> vector<128x128xf32>
    %get3A_529 = arith.constant 0 : index
    %get3A_530 = arith.constant 0 : index
    %get3A_531 = vector.load %arg3[%get3A_529, %get3A_530] : memref<128x128xf32, #tpu.memory_space<vmem>>, vector<128x128xf32>
    %dot_general3A_532 = arith.constant dense<0.000000e+00> : vector<128x128xf32>
    %dot_general3A_533 = tpu.matmul %dot_general3A_528, %get3A_531, %dot_general3A_532 {dimension_numbers = #tpu.dot_dimension_numbers<[1], [0], [0], [1], [0, 0, 1, 1], [], []>, transpose_lhs_hint = false} : vector<128x128xf32>, vector<128x128xf32>, vector<128x128xf32> -> vector<128x128xf32>
    %get3A_534 = arith.constant 0 : index
    %get3A_535 = arith.constant 0 : index
    %get3A_536 = vector.load %arg4[%get3A_534, %get3A_535] : memref<1x128xf32, #tpu.memory_space<vmem>>, vector<1x128xf32>
    %add3A_537 = vector.broadcast %get3A_536 : vector<1x128xf32> to vector<128x128xf32>
    %add3A_538 = arith.addf %dot_general3A_533, %add3A_537 : vector<128x128xf32>
    %max3A_539 = arith.constant 0.000000e+00 : f32
    %max3A_540 = vector.broadcast %max3A_539 : f32 to vector<128x128xf32>
    %max3A_541 = arith.maximumf %add3A_538, %max3A_540 : vector<128x128xf32>
    %dot_general3A_542 = arith.constant dense<0.000000e+00> : vector<128x128xf32>
    %dot_general3A_543 = tpu.matmul %mul3A_521, %max3A_541, %dot_general3A_542 {dimension_numbers = #tpu.dot_dimension_numbers<[1], [0], [0], [1], [0, 0, 1, 1], [], []>, precision = #tpu.contract_precision<fp32>, transpose_lhs_hint = false} : vector<128x128xf32>, vector<128x128xf32>, vector<128x128xf32> -> vector<128x128xf32>
    %get3A_544 = arith.constant 0 : index
    %get3A_545 = arith.constant 0 : index
    %get3A_546 = vector.load %arg5[%get3A_544, %get3A_545] : memref<128x128xf32, #tpu.memory_space<vmem>>, vector<128x128xf32>
    %dot_general3A_547 = arith.constant dense<0.000000e+00> : vector<128x128xf32>
    %dot_general3A_548 = tpu.matmul %dot_general3A_543, %get3A_546, %dot_general3A_547 {dimension_numbers = #tpu.dot_dimension_numbers<[1], [0], [0], [1], [0, 0, 1, 1], [], []>, transpose_lhs_hint = false} : vector<128x128xf32>, vector<128x128xf32>, vector<128x128xf32> -> vector<128x128xf32>
    %get3A_549 = arith.constant 0 : index
    %get3A_550 = arith.constant 0 : index
    %get3A_551 = vector.load %arg6[%get3A_549, %get3A_550] : memref<1x128xf32, #tpu.memory_space<vmem>>, vector<1x128xf32>
    %add3A_552 = vector.broadcast %get3A_551 : vector<1x128xf32> to vector<128x128xf32>
    %add3A_553 = arith.addf %dot_general3A_548, %add3A_552 : vector<128x128xf32>
    %max3A_554 = arith.constant 0.000000e+00 : f32
    %max3A_555 = vector.broadcast %max3A_554 : f32 to vector<128x128xf32>
    %max3A_556 = arith.maximumf %add3A_553, %max3A_555 : vector<128x128xf32>
    %slice3A_557 = vector.extract_strided_slice %max3A_556 {offsets = [0, 127], sizes = [128, 1], strides = [1, 1]} : vector<128x128xf32> to vector<128x1xf32>
    %jit3A_558 = arith.constant -1.000000e+00 : f32
    %broadcast_in_dim3A_559 = vector.broadcast %jit3A_558 : f32 to vector<128x1xf32>
    %select_n3A_560 = arith.select %lt3A_2, %slice3A_557, %broadcast_in_dim3A_559 : vector<128x1xi1>, vector<128x1xf32>
    %transpose3A_561 = tpu.transpose %max3A_556, [1, 0] : vector<128x128xf32> -> vector<128x128xf32>
    %lt3A_562 = arith.constant 100 : i32
    %lt3A_563 = vector.broadcast %lt3A_562 : i32 to vector<1x128xi32>
    %lt3A_564 = arith.cmpi slt, %iota3A_0, %lt3A_563 : vector<1x128xi32>
    %slice3A_565 = vector.extract_strided_slice %transpose3A_561 {offsets = [127, 0], sizes = [1, 128], strides = [1, 1]} : vector<128x128xf32> to vector<1x128xf32>
    %jit3A_566 = arith.constant -1.000000e+00 : f32
    %broadcast_in_dim3A_567 = vector.broadcast %jit3A_566 : f32 to vector<1x128xf32>
    %select_n3A_568 = arith.select %lt3A_564, %slice3A_565, %broadcast_in_dim3A_567 : vector<1x128xi1>, vector<1x128xf32>
    %gt3A_569 = vector.broadcast %select_n3A_560 : vector<128x1xf32> to vector<128x128xf32>
    %gt3A_570 = vector.broadcast %select_n3A_568 : vector<1x128xf32> to vector<128x128xf32>
    %gt3A_571 = arith.cmpf ogt, %gt3A_569, %gt3A_570 : vector<128x128xf32>
    %eq3A_572 = vector.broadcast %select_n3A_560 : vector<128x1xf32> to vector<128x128xf32>
    %eq3A_573 = vector.broadcast %select_n3A_568 : vector<1x128xf32> to vector<128x128xf32>
    %eq3A_574 = arith.cmpf oeq, %eq3A_572, %eq3A_573 : vector<128x128xf32>
    %lt3A_575 = vector.broadcast %iota3A : vector<128x1xi32> to vector<128x128xi32>
    %lt3A_576 = vector.broadcast %iota3A_0 : vector<1x128xi32> to vector<128x128xi32>
    %lt3A_577 = arith.cmpi slt, %lt3A_575, %lt3A_576 : vector<128x128xi32>
    %and3A_578 = arith.andi %eq3A_574, %lt3A_577 : vector<128x128xi1>
    %or3A_579 = arith.ori %gt3A_571, %and3A_578 : vector<128x128xi1>
    %jit3A_580 = arith.constant 1.000000e+00 : f32
    %jit3A_581 = arith.constant 0.000000e+00 : f32
    %broadcast_in_dim3A_582 = vector.broadcast %jit3A_580 : f32 to vector<128x128xf32>
    %broadcast_in_dim3A_583 = vector.broadcast %jit3A_581 : f32 to vector<128x128xf32>
    %select_n3A_584 = arith.select %or3A_579, %broadcast_in_dim3A_582, %broadcast_in_dim3A_583 : vector<128x128xi1>, vector<128x128xf32>
    %dot_general3A_585 = arith.constant dense<0.000000e+00> : vector<1x128xf32>
    %dot_general3A_586 = tpu.matmul %broadcast_in_dim3A_5, %select_n3A_584, %dot_general3A_585 {dimension_numbers = #tpu.dot_dimension_numbers<[1], [0], [0], [1], [0, 0, 1, 1], [], []>, transpose_lhs_hint = false} : vector<1x128xf32>, vector<128x128xf32>, vector<1x128xf32> -> vector<1x128xf32>
    %convert_element_type3A_587 = arith.sitofp %iota3A : vector<128x1xi32> to vector<128x1xf32>
    %eq3A_588 = vector.broadcast %dot_general3A_586 : vector<1x128xf32> to vector<128x128xf32>
    %eq3A_589 = vector.broadcast %convert_element_type3A_587 : vector<128x1xf32> to vector<128x128xf32>
    %eq3A_590 = arith.cmpf oeq, %eq3A_588, %eq3A_589 : vector<128x128xf32>
    %jit3A_591 = arith.constant 1.000000e+00 : f32
    %jit3A_592 = arith.constant 0.000000e+00 : f32
    %broadcast_in_dim3A_593 = vector.broadcast %jit3A_591 : f32 to vector<128x128xf32>
    %broadcast_in_dim3A_594 = vector.broadcast %jit3A_592 : f32 to vector<128x128xf32>
    %select_n3A_595 = arith.select %eq3A_590, %broadcast_in_dim3A_593, %broadcast_in_dim3A_594 : vector<128x128xi1>, vector<128x128xf32>
    %dot_general3A_596 = arith.constant dense<0.000000e+00> : vector<128x128xf32>
    %dot_general3A_597 = tpu.matmul %select_n3A_595, %max3A_556, %dot_general3A_596 {dimension_numbers = #tpu.dot_dimension_numbers<[1], [0], [0], [1], [0, 0, 1, 1], [], []>, transpose_lhs_hint = false} : vector<128x128xf32>, vector<128x128xf32>, vector<128x128xf32> -> vector<128x128xf32>
    %slice3A_598 = vector.extract_strided_slice %dot_general3A_597 {offsets = [0, 0], sizes = [1, 128], strides = [1, 1]} : vector<128x128xf32> to vector<1x128xf32>
    %slice3A_599 = vector.extract_strided_slice %dot_general3A_597 {offsets = [1, 0], sizes = [1, 128], strides = [1, 1]} : vector<128x128xf32> to vector<1x128xf32>
    %slice3A_600 = vector.extract_strided_slice %dot_general3A_597 {offsets = [2, 0], sizes = [1, 128], strides = [1, 1]} : vector<128x128xf32> to vector<1x128xf32>
    %concatenate3A_601 = tpu.concatenate %slice3A_598, %slice3A_599, %slice3A_600 in 1 : vector<1x128xf32>, vector<1x128xf32>, vector<1x128xf32> -> vector<1x384xf32>
    %get3A_602 = arith.constant 0 : index
    %get3A_603 = arith.constant 0 : index
    %get3A_604 = vector.load %arg7[%get3A_602, %get3A_603] : memref<384x128xf32, #tpu.memory_space<vmem>>, vector<384x128xf32>
    %dot_general3A_605 = arith.constant dense<0.000000e+00> : vector<1x128xf32>
    %dot_general3A_606 = tpu.matmul %concatenate3A_601, %get3A_604, %dot_general3A_605 {dimension_numbers = #tpu.dot_dimension_numbers<[1], [0], [0], [1], [0, 0, 1, 1], [], []>, transpose_lhs_hint = false} : vector<1x384xf32>, vector<384x128xf32>, vector<1x128xf32> -> vector<1x128xf32>
    %get3A_607 = arith.constant 0 : index
    %get3A_608 = arith.constant 0 : index
    %get3A_609 = vector.load %arg8[%get3A_607, %get3A_608] : memref<1x128xf32, #tpu.memory_space<vmem>>, vector<1x128xf32>
    %add3A_610 = arith.addf %dot_general3A_606, %get3A_609 : vector<1x128xf32>
    %max3A_611 = arith.constant 0.000000e+00 : f32
    %max3A_612 = vector.broadcast %max3A_611 : f32 to vector<1x128xf32>
    %max3A_613 = arith.maximumf %add3A_610, %max3A_612 : vector<1x128xf32>
    %get3A_614 = arith.constant 0 : index
    %get3A_615 = arith.constant 0 : index
    %get3A_616 = vector.load %arg9[%get3A_614, %get3A_615] : memref<128x128xf32, #tpu.memory_space<vmem>>, vector<128x128xf32>
    %dot_general3A_617 = arith.constant dense<0.000000e+00> : vector<1x128xf32>
    %dot_general3A_618 = tpu.matmul %max3A_613, %get3A_616, %dot_general3A_617 {dimension_numbers = #tpu.dot_dimension_numbers<[1], [0], [0], [1], [0, 0, 1, 1], [], []>, transpose_lhs_hint = false} : vector<1x128xf32>, vector<128x128xf32>, vector<1x128xf32> -> vector<1x128xf32>
    %get3A_619 = arith.constant 0 : index
    %get3A_620 = arith.constant 0 : index
    %get3A_621 = vector.load %arg10[%get3A_619, %get3A_620] : memref<1x128xf32, #tpu.memory_space<vmem>>, vector<1x128xf32>
    %add3A_622 = arith.addf %dot_general3A_618, %get3A_621 : vector<1x128xf32>
    %swap3A_623 = arith.constant 4 : index
    %swap3A_624 = arith.constant 0 : index
    %swap3A_625 = arith.constant 0 : index
    %swap3A_626 = vector.load %arg11[%swap3A_623, %swap3A_624, %swap3A_625] : memref<10x1x128xf32, #tpu.memory_space<vmem>>, vector<1x1x128xf32>
    %swap3A_627 = vector.shape_cast %swap3A_626 : vector<1x1x128xf32> to vector<1x128xf32>
    %swap3A_628 = vector.shape_cast %add3A_622 : vector<1x128xf32> to vector<1x1x128xf32>
    tpu.vector_store %arg11[%swap3A_623, %swap3A_624, %swap3A_625], %swap3A_628 {strides = array<i32>} : memref<10x1x128xf32, #tpu.memory_space<vmem>>, vector<1x1x128xf32>,
    %get3A_629 = arith.constant 5 : index
    %get3A_630 = arith.constant 0 : index
    %get3A_631 = arith.constant 0 : index
    %get3A_632 = vector.load %arg1[%get3A_629, %get3A_630, %get3A_631] : memref<10x128x128xf32, #tpu.memory_space<vmem>>, vector<1x128x128xf32>
    %get3A_633 = vector.shape_cast %get3A_632 : vector<1x128x128xf32> to vector<128x128xf32>
    %dot_general3A_634 = arith.constant dense<0.000000e+00> : vector<128x1xf32>
    %dot_general3A_635 = tpu.matmul %get3A_633, %broadcast_in_dim3A_3, %dot_general3A_634 {dimension_numbers = #tpu.dot_dimension_numbers<[1], [0], [0], [1], [0, 0, 1, 1], [], []>, transpose_lhs_hint = false} : vector<128x128xf32>, vector<128x1xf32>, vector<128x1xf32> -> vector<128x1xf32>
    %dot_general3A_636 = arith.constant dense<0.000000e+00> : vector<1x128xf32>
    %dot_general3A_637 = tpu.matmul %broadcast_in_dim3A_5, %get3A_633, %dot_general3A_636 {dimension_numbers = #tpu.dot_dimension_numbers<[1], [0], [0], [1], [0, 0, 1, 1], [], []>, transpose_lhs_hint = false} : vector<1x128xf32>, vector<128x128xf32>, vector<1x128xf32> -> vector<1x128xf32>
    %max3A_638 = arith.constant 1.000000e+00 : f32
    %max3A_639 = vector.broadcast %max3A_638 : f32 to vector<128x1xf32>
    %max3A_640 = arith.maximumf %dot_general3A_635, %max3A_639 : vector<128x1xf32>
    %rsqrt3A_641 = math.rsqrt %max3A_640 : vector<128x1xf32>
    %max3A_642 = arith.constant 1.000000e+00 : f32
    %max3A_643 = vector.broadcast %max3A_642 : f32 to vector<1x128xf32>
    %max3A_644 = arith.maximumf %dot_general3A_637, %max3A_643 : vector<1x128xf32>
    %rsqrt3A_645 = math.rsqrt %max3A_644 : vector<1x128xf32>
    %mul3A_646 = vector.broadcast %rsqrt3A_641 : vector<128x1xf32> to vector<128x128xf32>
    %mul3A_647 = arith.mulf %get3A_633, %mul3A_646 : vector<128x128xf32>
    %mul3A_648 = vector.broadcast %rsqrt3A_645 : vector<1x128xf32> to vector<128x128xf32>
    %mul3A_649 = arith.mulf %mul3A_647, %mul3A_648 : vector<128x128xf32>
    %get3A_650 = arith.constant 5 : index
    %get3A_651 = arith.constant 0 : index
    %get3A_652 = arith.constant 0 : index
    %get3A_653 = vector.load %arg2[%get3A_650, %get3A_651, %get3A_652] : memref<10x128x128xf32, #tpu.memory_space<vmem>>, vector<1x128x128xf32>
    %get3A_654 = vector.shape_cast %get3A_653 : vector<1x128x128xf32> to vector<128x128xf32>
    %dot_general3A_655 = arith.constant dense<0.000000e+00> : vector<128x128xf32>
    %dot_general3A_656 = tpu.matmul %mul3A_649, %get3A_654, %dot_general3A_655 {dimension_numbers = #tpu.dot_dimension_numbers<[1], [0], [0], [1], [0, 0, 1, 1], [], []>, precision = #tpu.contract_precision<fp32>, transpose_lhs_hint = false} : vector<128x128xf32>, vector<128x128xf32>, vector<128x128xf32> -> vector<128x128xf32>
    %get3A_657 = arith.constant 0 : index
    %get3A_658 = arith.constant 0 : index
    %get3A_659 = vector.load %arg3[%get3A_657, %get3A_658] : memref<128x128xf32, #tpu.memory_space<vmem>>, vector<128x128xf32>
    %dot_general3A_660 = arith.constant dense<0.000000e+00> : vector<128x128xf32>
    %dot_general3A_661 = tpu.matmul %dot_general3A_656, %get3A_659, %dot_general3A_660 {dimension_numbers = #tpu.dot_dimension_numbers<[1], [0], [0], [1], [0, 0, 1, 1], [], []>, transpose_lhs_hint = false} : vector<128x128xf32>, vector<128x128xf32>, vector<128x128xf32> -> vector<128x128xf32>
    %get3A_662 = arith.constant 0 : index
    %get3A_663 = arith.constant 0 : index
    %get3A_664 = vector.load %arg4[%get3A_662, %get3A_663] : memref<1x128xf32, #tpu.memory_space<vmem>>, vector<1x128xf32>
    %add3A_665 = vector.broadcast %get3A_664 : vector<1x128xf32> to vector<128x128xf32>
    %add3A_666 = arith.addf %dot_general3A_661, %add3A_665 : vector<128x128xf32>
    %max3A_667 = arith.constant 0.000000e+00 : f32
    %max3A_668 = vector.broadcast %max3A_667 : f32 to vector<128x128xf32>
    %max3A_669 = arith.maximumf %add3A_666, %max3A_668 : vector<128x128xf32>
    %dot_general3A_670 = arith.constant dense<0.000000e+00> : vector<128x128xf32>
    %dot_general3A_671 = tpu.matmul %mul3A_649, %max3A_669, %dot_general3A_670 {dimension_numbers = #tpu.dot_dimension_numbers<[1], [0], [0], [1], [0, 0, 1, 1], [], []>, precision = #tpu.contract_precision<fp32>, transpose_lhs_hint = false} : vector<128x128xf32>, vector<128x128xf32>, vector<128x128xf32> -> vector<128x128xf32>
    %get3A_672 = arith.constant 0 : index
    %get3A_673 = arith.constant 0 : index
    %get3A_674 = vector.load %arg5[%get3A_672, %get3A_673] : memref<128x128xf32, #tpu.memory_space<vmem>>, vector<128x128xf32>
    %dot_general3A_675 = arith.constant dense<0.000000e+00> : vector<128x128xf32>
    %dot_general3A_676 = tpu.matmul %dot_general3A_671, %get3A_674, %dot_general3A_675 {dimension_numbers = #tpu.dot_dimension_numbers<[1], [0], [0], [1], [0, 0, 1, 1], [], []>, transpose_lhs_hint = false} : vector<128x128xf32>, vector<128x128xf32>, vector<128x128xf32> -> vector<128x128xf32>
    %get3A_677 = arith.constant 0 : index
    %get3A_678 = arith.constant 0 : index
    %get3A_679 = vector.load %arg6[%get3A_677, %get3A_678] : memref<1x128xf32, #tpu.memory_space<vmem>>, vector<1x128xf32>
    %add3A_680 = vector.broadcast %get3A_679 : vector<1x128xf32> to vector<128x128xf32>
    %add3A_681 = arith.addf %dot_general3A_676, %add3A_680 : vector<128x128xf32>
    %max3A_682 = arith.constant 0.000000e+00 : f32
    %max3A_683 = vector.broadcast %max3A_682 : f32 to vector<128x128xf32>
    %max3A_684 = arith.maximumf %add3A_681, %max3A_683 : vector<128x128xf32>
    %slice3A_685 = vector.extract_strided_slice %max3A_684 {offsets = [0, 127], sizes = [128, 1], strides = [1, 1]} : vector<128x128xf32> to vector<128x1xf32>
    %jit3A_686 = arith.constant -1.000000e+00 : f32
    %broadcast_in_dim3A_687 = vector.broadcast %jit3A_686 : f32 to vector<128x1xf32>
    %select_n3A_688 = arith.select %lt3A_2, %slice3A_685, %broadcast_in_dim3A_687 : vector<128x1xi1>, vector<128x1xf32>
    %transpose3A_689 = tpu.transpose %max3A_684, [1, 0] : vector<128x128xf32> -> vector<128x128xf32>
    %lt3A_690 = arith.constant 100 : i32
    %lt3A_691 = vector.broadcast %lt3A_690 : i32 to vector<1x128xi32>
    %lt3A_692 = arith.cmpi slt, %iota3A_0, %lt3A_691 : vector<1x128xi32>
    %slice3A_693 = vector.extract_strided_slice %transpose3A_689 {offsets = [127, 0], sizes = [1, 128], strides = [1, 1]} : vector<128x128xf32> to vector<1x128xf32>
    %jit3A_694 = arith.constant -1.000000e+00 : f32
    %broadcast_in_dim3A_695 = vector.broadcast %jit3A_694 : f32 to vector<1x128xf32>
    %select_n3A_696 = arith.select %lt3A_692, %slice3A_693, %broadcast_in_dim3A_695 : vector<1x128xi1>, vector<1x128xf32>
    %gt3A_697 = vector.broadcast %select_n3A_688 : vector<128x1xf32> to vector<128x128xf32>
    %gt3A_698 = vector.broadcast %select_n3A_696 : vector<1x128xf32> to vector<128x128xf32>
    %gt3A_699 = arith.cmpf ogt, %gt3A_697, %gt3A_698 : vector<128x128xf32>
    %eq3A_700 = vector.broadcast %select_n3A_688 : vector<128x1xf32> to vector<128x128xf32>
    %eq3A_701 = vector.broadcast %select_n3A_696 : vector<1x128xf32> to vector<128x128xf32>
    %eq3A_702 = arith.cmpf oeq, %eq3A_700, %eq3A_701 : vector<128x128xf32>
    %lt3A_703 = vector.broadcast %iota3A : vector<128x1xi32> to vector<128x128xi32>
    %lt3A_704 = vector.broadcast %iota3A_0 : vector<1x128xi32> to vector<128x128xi32>
    %lt3A_705 = arith.cmpi slt, %lt3A_703, %lt3A_704 : vector<128x128xi32>
    %and3A_706 = arith.andi %eq3A_702, %lt3A_705 : vector<128x128xi1>
    %or3A_707 = arith.ori %gt3A_699, %and3A_706 : vector<128x128xi1>
    %jit3A_708 = arith.constant 1.000000e+00 : f32
    %jit3A_709 = arith.constant 0.000000e+00 : f32
    %broadcast_in_dim3A_710 = vector.broadcast %jit3A_708 : f32 to vector<128x128xf32>
    %broadcast_in_dim3A_711 = vector.broadcast %jit3A_709 : f32 to vector<128x128xf32>
    %select_n3A_712 = arith.select %or3A_707, %broadcast_in_dim3A_710, %broadcast_in_dim3A_711 : vector<128x128xi1>, vector<128x128xf32>
    %dot_general3A_713 = arith.constant dense<0.000000e+00> : vector<1x128xf32>
    %dot_general3A_714 = tpu.matmul %broadcast_in_dim3A_5, %select_n3A_712, %dot_general3A_713 {dimension_numbers = #tpu.dot_dimension_numbers<[1], [0], [0], [1], [0, 0, 1, 1], [], []>, transpose_lhs_hint = false} : vector<1x128xf32>, vector<128x128xf32>, vector<1x128xf32> -> vector<1x128xf32>
    %convert_element_type3A_715 = arith.sitofp %iota3A : vector<128x1xi32> to vector<128x1xf32>
    %eq3A_716 = vector.broadcast %dot_general3A_714 : vector<1x128xf32> to vector<128x128xf32>
    %eq3A_717 = vector.broadcast %convert_element_type3A_715 : vector<128x1xf32> to vector<128x128xf32>
    %eq3A_718 = arith.cmpf oeq, %eq3A_716, %eq3A_717 : vector<128x128xf32>
    %jit3A_719 = arith.constant 1.000000e+00 : f32
    %jit3A_720 = arith.constant 0.000000e+00 : f32
    %broadcast_in_dim3A_721 = vector.broadcast %jit3A_719 : f32 to vector<128x128xf32>
    %broadcast_in_dim3A_722 = vector.broadcast %jit3A_720 : f32 to vector<128x128xf32>
    %select_n3A_723 = arith.select %eq3A_718, %broadcast_in_dim3A_721, %broadcast_in_dim3A_722 : vector<128x128xi1>, vector<128x128xf32>
    %dot_general3A_724 = arith.constant dense<0.000000e+00> : vector<128x128xf32>
    %dot_general3A_725 = tpu.matmul %select_n3A_723, %max3A_684, %dot_general3A_724 {dimension_numbers = #tpu.dot_dimension_numbers<[1], [0], [0], [1], [0, 0, 1, 1], [], []>, transpose_lhs_hint = false} : vector<128x128xf32>, vector<128x128xf32>, vector<128x128xf32> -> vector<128x128xf32>
    %slice3A_726 = vector.extract_strided_slice %dot_general3A_725 {offsets = [0, 0], sizes = [1, 128], strides = [1, 1]} : vector<128x128xf32> to vector<1x128xf32>
    %slice3A_727 = vector.extract_strided_slice %dot_general3A_725 {offsets = [1, 0], sizes = [1, 128], strides = [1, 1]} : vector<128x128xf32> to vector<1x128xf32>
    %slice3A_728 = vector.extract_strided_slice %dot_general3A_725 {offsets = [2, 0], sizes = [1, 128], strides = [1, 1]} : vector<128x128xf32> to vector<1x128xf32>
    %concatenate3A_729 = tpu.concatenate %slice3A_726, %slice3A_727, %slice3A_728 in 1 : vector<1x128xf32>, vector<1x128xf32>, vector<1x128xf32> -> vector<1x384xf32>
    %get3A_730 = arith.constant 0 : index
    %get3A_731 = arith.constant 0 : index
    %get3A_732 = vector.load %arg7[%get3A_730, %get3A_731] : memref<384x128xf32, #tpu.memory_space<vmem>>, vector<384x128xf32>
    %dot_general3A_733 = arith.constant dense<0.000000e+00> : vector<1x128xf32>
    %dot_general3A_734 = tpu.matmul %concatenate3A_729, %get3A_732, %dot_general3A_733 {dimension_numbers = #tpu.dot_dimension_numbers<[1], [0], [0], [1], [0, 0, 1, 1], [], []>, transpose_lhs_hint = false} : vector<1x384xf32>, vector<384x128xf32>, vector<1x128xf32> -> vector<1x128xf32>
    %get3A_735 = arith.constant 0 : index
    %get3A_736 = arith.constant 0 : index
    %get3A_737 = vector.load %arg8[%get3A_735, %get3A_736] : memref<1x128xf32, #tpu.memory_space<vmem>>, vector<1x128xf32>
    %add3A_738 = arith.addf %dot_general3A_734, %get3A_737 : vector<1x128xf32>
    %max3A_739 = arith.constant 0.000000e+00 : f32
    %max3A_740 = vector.broadcast %max3A_739 : f32 to vector<1x128xf32>
    %max3A_741 = arith.maximumf %add3A_738, %max3A_740 : vector<1x128xf32>
    %get3A_742 = arith.constant 0 : index
    %get3A_743 = arith.constant 0 : index
    %get3A_744 = vector.load %arg9[%get3A_742, %get3A_743] : memref<128x128xf32, #tpu.memory_space<vmem>>, vector<128x128xf32>
    %dot_general3A_745 = arith.constant dense<0.000000e+00> : vector<1x128xf32>
    %dot_general3A_746 = tpu.matmul %max3A_741, %get3A_744, %dot_general3A_745 {dimension_numbers = #tpu.dot_dimension_numbers<[1], [0], [0], [1], [0, 0, 1, 1], [], []>, transpose_lhs_hint = false} : vector<1x128xf32>, vector<128x128xf32>, vector<1x128xf32> -> vector<1x128xf32>
    %get3A_747 = arith.constant 0 : index
    %get3A_748 = arith.constant 0 : index
    %get3A_749 = vector.load %arg10[%get3A_747, %get3A_748] : memref<1x128xf32, #tpu.memory_space<vmem>>, vector<1x128xf32>
    %add3A_750 = arith.addf %dot_general3A_746, %get3A_749 : vector<1x128xf32>
    %swap3A_751 = arith.constant 5 : index
    %swap3A_752 = arith.constant 0 : index
    %swap3A_753 = arith.constant 0 : index
    %swap3A_754 = vector.load %arg11[%swap3A_751, %swap3A_752, %swap3A_753] : memref<10x1x128xf32, #tpu.memory_space<vmem>>, vector<1x1x128xf32>
    %swap3A_755 = vector.shape_cast %swap3A_754 : vector<1x1x128xf32> to vector<1x128xf32>
    %swap3A_756 = vector.shape_cast %add3A_750 : vector<1x128xf32> to vector<1x1x128xf32>
    tpu.vector_store %arg11[%swap3A_751, %swap3A_752, %swap3A_753], %swap3A_756 {strides = array<i32>} : memref<10x1x128xf32, #tpu.memory_space<vmem>>, vector<1x1x128xf32>,
    %get3A_757 = arith.constant 6 : index
    %get3A_758 = arith.constant 0 : index
    %get3A_759 = arith.constant 0 : index
    %get3A_760 = vector.load %arg1[%get3A_757, %get3A_758, %get3A_759] : memref<10x128x128xf32, #tpu.memory_space<vmem>>, vector<1x128x128xf32>
    %get3A_761 = vector.shape_cast %get3A_760 : vector<1x128x128xf32> to vector<128x128xf32>
    %dot_general3A_762 = arith.constant dense<0.000000e+00> : vector<128x1xf32>
    %dot_general3A_763 = tpu.matmul %get3A_761, %broadcast_in_dim3A_3, %dot_general3A_762 {dimension_numbers = #tpu.dot_dimension_numbers<[1], [0], [0], [1], [0, 0, 1, 1], [], []>, transpose_lhs_hint = false} : vector<128x128xf32>, vector<128x1xf32>, vector<128x1xf32> -> vector<128x1xf32>
    %dot_general3A_764 = arith.constant dense<0.000000e+00> : vector<1x128xf32>
    %dot_general3A_765 = tpu.matmul %broadcast_in_dim3A_5, %get3A_761, %dot_general3A_764 {dimension_numbers = #tpu.dot_dimension_numbers<[1], [0], [0], [1], [0, 0, 1, 1], [], []>, transpose_lhs_hint = false} : vector<1x128xf32>, vector<128x128xf32>, vector<1x128xf32> -> vector<1x128xf32>
    %max3A_766 = arith.constant 1.000000e+00 : f32
    %max3A_767 = vector.broadcast %max3A_766 : f32 to vector<128x1xf32>
    %max3A_768 = arith.maximumf %dot_general3A_763, %max3A_767 : vector<128x1xf32>
    %rsqrt3A_769 = math.rsqrt %max3A_768 : vector<128x1xf32>
    %max3A_770 = arith.constant 1.000000e+00 : f32
    %max3A_771 = vector.broadcast %max3A_770 : f32 to vector<1x128xf32>
    %max3A_772 = arith.maximumf %dot_general3A_765, %max3A_771 : vector<1x128xf32>
    %rsqrt3A_773 = math.rsqrt %max3A_772 : vector<1x128xf32>
    %mul3A_774 = vector.broadcast %rsqrt3A_769 : vector<128x1xf32> to vector<128x128xf32>
    %mul3A_775 = arith.mulf %get3A_761, %mul3A_774 : vector<128x128xf32>
    %mul3A_776 = vector.broadcast %rsqrt3A_773 : vector<1x128xf32> to vector<128x128xf32>
    %mul3A_777 = arith.mulf %mul3A_775, %mul3A_776 : vector<128x128xf32>
    %get3A_778 = arith.constant 6 : index
    %get3A_779 = arith.constant 0 : index
    %get3A_780 = arith.constant 0 : index
    %get3A_781 = vector.load %arg2[%get3A_778, %get3A_779, %get3A_780] : memref<10x128x128xf32, #tpu.memory_space<vmem>>, vector<1x128x128xf32>
    %get3A_782 = vector.shape_cast %get3A_781 : vector<1x128x128xf32> to vector<128x128xf32>
    %dot_general3A_783 = arith.constant dense<0.000000e+00> : vector<128x128xf32>
    %dot_general3A_784 = tpu.matmul %mul3A_777, %get3A_782, %dot_general3A_783 {dimension_numbers = #tpu.dot_dimension_numbers<[1], [0], [0], [1], [0, 0, 1, 1], [], []>, precision = #tpu.contract_precision<fp32>, transpose_lhs_hint = false} : vector<128x128xf32>, vector<128x128xf32>, vector<128x128xf32> -> vector<128x128xf32>
    %get3A_785 = arith.constant 0 : index
    %get3A_786 = arith.constant 0 : index
    %get3A_787 = vector.load %arg3[%get3A_785, %get3A_786] : memref<128x128xf32, #tpu.memory_space<vmem>>, vector<128x128xf32>
    %dot_general3A_788 = arith.constant dense<0.000000e+00> : vector<128x128xf32>
    %dot_general3A_789 = tpu.matmul %dot_general3A_784, %get3A_787, %dot_general3A_788 {dimension_numbers = #tpu.dot_dimension_numbers<[1], [0], [0], [1], [0, 0, 1, 1], [], []>, transpose_lhs_hint = false} : vector<128x128xf32>, vector<128x128xf32>, vector<128x128xf32> -> vector<128x128xf32>
    %get3A_790 = arith.constant 0 : index
    %get3A_791 = arith.constant 0 : index
    %get3A_792 = vector.load %arg4[%get3A_790, %get3A_791] : memref<1x128xf32, #tpu.memory_space<vmem>>, vector<1x128xf32>
    %add3A_793 = vector.broadcast %get3A_792 : vector<1x128xf32> to vector<128x128xf32>
    %add3A_794 = arith.addf %dot_general3A_789, %add3A_793 : vector<128x128xf32>
    %max3A_795 = arith.constant 0.000000e+00 : f32
    %max3A_796 = vector.broadcast %max3A_795 : f32 to vector<128x128xf32>
    %max3A_797 = arith.maximumf %add3A_794, %max3A_796 : vector<128x128xf32>
    %dot_general3A_798 = arith.constant dense<0.000000e+00> : vector<128x128xf32>
    %dot_general3A_799 = tpu.matmul %mul3A_777, %max3A_797, %dot_general3A_798 {dimension_numbers = #tpu.dot_dimension_numbers<[1], [0], [0], [1], [0, 0, 1, 1], [], []>, precision = #tpu.contract_precision<fp32>, transpose_lhs_hint = false} : vector<128x128xf32>, vector<128x128xf32>, vector<128x128xf32> -> vector<128x128xf32>
    %get3A_800 = arith.constant 0 : index
    %get3A_801 = arith.constant 0 : index
    %get3A_802 = vector.load %arg5[%get3A_800, %get3A_801] : memref<128x128xf32, #tpu.memory_space<vmem>>, vector<128x128xf32>
    %dot_general3A_803 = arith.constant dense<0.000000e+00> : vector<128x128xf32>
    %dot_general3A_804 = tpu.matmul %dot_general3A_799, %get3A_802, %dot_general3A_803 {dimension_numbers = #tpu.dot_dimension_numbers<[1], [0], [0], [1], [0, 0, 1, 1], [], []>, transpose_lhs_hint = false} : vector<128x128xf32>, vector<128x128xf32>, vector<128x128xf32> -> vector<128x128xf32>
    %get3A_805 = arith.constant 0 : index
    %get3A_806 = arith.constant 0 : index
    %get3A_807 = vector.load %arg6[%get3A_805, %get3A_806] : memref<1x128xf32, #tpu.memory_space<vmem>>, vector<1x128xf32>
    %add3A_808 = vector.broadcast %get3A_807 : vector<1x128xf32> to vector<128x128xf32>
    %add3A_809 = arith.addf %dot_general3A_804, %add3A_808 : vector<128x128xf32>
    %max3A_810 = arith.constant 0.000000e+00 : f32
    %max3A_811 = vector.broadcast %max3A_810 : f32 to vector<128x128xf32>
    %max3A_812 = arith.maximumf %add3A_809, %max3A_811 : vector<128x128xf32>
    %slice3A_813 = vector.extract_strided_slice %max3A_812 {offsets = [0, 127], sizes = [128, 1], strides = [1, 1]} : vector<128x128xf32> to vector<128x1xf32>
    %jit3A_814 = arith.constant -1.000000e+00 : f32
    %broadcast_in_dim3A_815 = vector.broadcast %jit3A_814 : f32 to vector<128x1xf32>
    %select_n3A_816 = arith.select %lt3A_2, %slice3A_813, %broadcast_in_dim3A_815 : vector<128x1xi1>, vector<128x1xf32>
    %transpose3A_817 = tpu.transpose %max3A_812, [1, 0] : vector<128x128xf32> -> vector<128x128xf32>
    %lt3A_818 = arith.constant 100 : i32
    %lt3A_819 = vector.broadcast %lt3A_818 : i32 to vector<1x128xi32>
    %lt3A_820 = arith.cmpi slt, %iota3A_0, %lt3A_819 : vector<1x128xi32>
    %slice3A_821 = vector.extract_strided_slice %transpose3A_817 {offsets = [127, 0], sizes = [1, 128], strides = [1, 1]} : vector<128x128xf32> to vector<1x128xf32>
    %jit3A_822 = arith.constant -1.000000e+00 : f32
    %broadcast_in_dim3A_823 = vector.broadcast %jit3A_822 : f32 to vector<1x128xf32>
    %select_n3A_824 = arith.select %lt3A_820, %slice3A_821, %broadcast_in_dim3A_823 : vector<1x128xi1>, vector<1x128xf32>
    %gt3A_825 = vector.broadcast %select_n3A_816 : vector<128x1xf32> to vector<128x128xf32>
    %gt3A_826 = vector.broadcast %select_n3A_824 : vector<1x128xf32> to vector<128x128xf32>
    %gt3A_827 = arith.cmpf ogt, %gt3A_825, %gt3A_826 : vector<128x128xf32>
    %eq3A_828 = vector.broadcast %select_n3A_816 : vector<128x1xf32> to vector<128x128xf32>
    %eq3A_829 = vector.broadcast %select_n3A_824 : vector<1x128xf32> to vector<128x128xf32>
    %eq3A_830 = arith.cmpf oeq, %eq3A_828, %eq3A_829 : vector<128x128xf32>
    %lt3A_831 = vector.broadcast %iota3A : vector<128x1xi32> to vector<128x128xi32>
    %lt3A_832 = vector.broadcast %iota3A_0 : vector<1x128xi32> to vector<128x128xi32>
    %lt3A_833 = arith.cmpi slt, %lt3A_831, %lt3A_832 : vector<128x128xi32>
    %and3A_834 = arith.andi %eq3A_830, %lt3A_833 : vector<128x128xi1>
    %or3A_835 = arith.ori %gt3A_827, %and3A_834 : vector<128x128xi1>
    %jit3A_836 = arith.constant 1.000000e+00 : f32
    %jit3A_837 = arith.constant 0.000000e+00 : f32
    %broadcast_in_dim3A_838 = vector.broadcast %jit3A_836 : f32 to vector<128x128xf32>
    %broadcast_in_dim3A_839 = vector.broadcast %jit3A_837 : f32 to vector<128x128xf32>
    %select_n3A_840 = arith.select %or3A_835, %broadcast_in_dim3A_838, %broadcast_in_dim3A_839 : vector<128x128xi1>, vector<128x128xf32>
    %dot_general3A_841 = arith.constant dense<0.000000e+00> : vector<1x128xf32>
    %dot_general3A_842 = tpu.matmul %broadcast_in_dim3A_5, %select_n3A_840, %dot_general3A_841 {dimension_numbers = #tpu.dot_dimension_numbers<[1], [0], [0], [1], [0, 0, 1, 1], [], []>, transpose_lhs_hint = false} : vector<1x128xf32>, vector<128x128xf32>, vector<1x128xf32> -> vector<1x128xf32>
    %convert_element_type3A_843 = arith.sitofp %iota3A : vector<128x1xi32> to vector<128x1xf32>
    %eq3A_844 = vector.broadcast %dot_general3A_842 : vector<1x128xf32> to vector<128x128xf32>
    %eq3A_845 = vector.broadcast %convert_element_type3A_843 : vector<128x1xf32> to vector<128x128xf32>
    %eq3A_846 = arith.cmpf oeq, %eq3A_844, %eq3A_845 : vector<128x128xf32>
    %jit3A_847 = arith.constant 1.000000e+00 : f32
    %jit3A_848 = arith.constant 0.000000e+00 : f32
    %broadcast_in_dim3A_849 = vector.broadcast %jit3A_847 : f32 to vector<128x128xf32>
    %broadcast_in_dim3A_850 = vector.broadcast %jit3A_848 : f32 to vector<128x128xf32>
    %select_n3A_851 = arith.select %eq3A_846, %broadcast_in_dim3A_849, %broadcast_in_dim3A_850 : vector<128x128xi1>, vector<128x128xf32>
    %dot_general3A_852 = arith.constant dense<0.000000e+00> : vector<128x128xf32>
    %dot_general3A_853 = tpu.matmul %select_n3A_851, %max3A_812, %dot_general3A_852 {dimension_numbers = #tpu.dot_dimension_numbers<[1], [0], [0], [1], [0, 0, 1, 1], [], []>, transpose_lhs_hint = false} : vector<128x128xf32>, vector<128x128xf32>, vector<128x128xf32> -> vector<128x128xf32>
    %slice3A_854 = vector.extract_strided_slice %dot_general3A_853 {offsets = [0, 0], sizes = [1, 128], strides = [1, 1]} : vector<128x128xf32> to vector<1x128xf32>
    %slice3A_855 = vector.extract_strided_slice %dot_general3A_853 {offsets = [1, 0], sizes = [1, 128], strides = [1, 1]} : vector<128x128xf32> to vector<1x128xf32>
    %slice3A_856 = vector.extract_strided_slice %dot_general3A_853 {offsets = [2, 0], sizes = [1, 128], strides = [1, 1]} : vector<128x128xf32> to vector<1x128xf32>
    %concatenate3A_857 = tpu.concatenate %slice3A_854, %slice3A_855, %slice3A_856 in 1 : vector<1x128xf32>, vector<1x128xf32>, vector<1x128xf32> -> vector<1x384xf32>
    %get3A_858 = arith.constant 0 : index
    %get3A_859 = arith.constant 0 : index
    %get3A_860 = vector.load %arg7[%get3A_858, %get3A_859] : memref<384x128xf32, #tpu.memory_space<vmem>>, vector<384x128xf32>
    %dot_general3A_861 = arith.constant dense<0.000000e+00> : vector<1x128xf32>
    %dot_general3A_862 = tpu.matmul %concatenate3A_857, %get3A_860, %dot_general3A_861 {dimension_numbers = #tpu.dot_dimension_numbers<[1], [0], [0], [1], [0, 0, 1, 1], [], []>, transpose_lhs_hint = false} : vector<1x384xf32>, vector<384x128xf32>, vector<1x128xf32> -> vector<1x128xf32>
    %get3A_863 = arith.constant 0 : index
    %get3A_864 = arith.constant 0 : index
    %get3A_865 = vector.load %arg8[%get3A_863, %get3A_864] : memref<1x128xf32, #tpu.memory_space<vmem>>, vector<1x128xf32>
    %add3A_866 = arith.addf %dot_general3A_862, %get3A_865 : vector<1x128xf32>
    %max3A_867 = arith.constant 0.000000e+00 : f32
    %max3A_868 = vector.broadcast %max3A_867 : f32 to vector<1x128xf32>
    %max3A_869 = arith.maximumf %add3A_866, %max3A_868 : vector<1x128xf32>
    %get3A_870 = arith.constant 0 : index
    %get3A_871 = arith.constant 0 : index
    %get3A_872 = vector.load %arg9[%get3A_870, %get3A_871] : memref<128x128xf32, #tpu.memory_space<vmem>>, vector<128x128xf32>
    %dot_general3A_873 = arith.constant dense<0.000000e+00> : vector<1x128xf32>
    %dot_general3A_874 = tpu.matmul %max3A_869, %get3A_872, %dot_general3A_873 {dimension_numbers = #tpu.dot_dimension_numbers<[1], [0], [0], [1], [0, 0, 1, 1], [], []>, transpose_lhs_hint = false} : vector<1x128xf32>, vector<128x128xf32>, vector<1x128xf32> -> vector<1x128xf32>
    %get3A_875 = arith.constant 0 : index
    %get3A_876 = arith.constant 0 : index
    %get3A_877 = vector.load %arg10[%get3A_875, %get3A_876] : memref<1x128xf32, #tpu.memory_space<vmem>>, vector<1x128xf32>
    %add3A_878 = arith.addf %dot_general3A_874, %get3A_877 : vector<1x128xf32>
    %swap3A_879 = arith.constant 6 : index
    %swap3A_880 = arith.constant 0 : index
    %swap3A_881 = arith.constant 0 : index
    %swap3A_882 = vector.load %arg11[%swap3A_879, %swap3A_880, %swap3A_881] : memref<10x1x128xf32, #tpu.memory_space<vmem>>, vector<1x1x128xf32>
    %swap3A_883 = vector.shape_cast %swap3A_882 : vector<1x1x128xf32> to vector<1x128xf32>
    %swap3A_884 = vector.shape_cast %add3A_878 : vector<1x128xf32> to vector<1x1x128xf32>
    tpu.vector_store %arg11[%swap3A_879, %swap3A_880, %swap3A_881], %swap3A_884 {strides = array<i32>} : memref<10x1x128xf32, #tpu.memory_space<vmem>>, vector<1x1x128xf32>,
    %get3A_885 = arith.constant 7 : index
    %get3A_886 = arith.constant 0 : index
    %get3A_887 = arith.constant 0 : index
    %get3A_888 = vector.load %arg1[%get3A_885, %get3A_886, %get3A_887] : memref<10x128x128xf32, #tpu.memory_space<vmem>>, vector<1x128x128xf32>
    %get3A_889 = vector.shape_cast %get3A_888 : vector<1x128x128xf32> to vector<128x128xf32>
    %dot_general3A_890 = arith.constant dense<0.000000e+00> : vector<128x1xf32>
    %dot_general3A_891 = tpu.matmul %get3A_889, %broadcast_in_dim3A_3, %dot_general3A_890 {dimension_numbers = #tpu.dot_dimension_numbers<[1], [0], [0], [1], [0, 0, 1, 1], [], []>, transpose_lhs_hint = false} : vector<128x128xf32>, vector<128x1xf32>, vector<128x1xf32> -> vector<128x1xf32>
    %dot_general3A_892 = arith.constant dense<0.000000e+00> : vector<1x128xf32>
    %dot_general3A_893 = tpu.matmul %broadcast_in_dim3A_5, %get3A_889, %dot_general3A_892 {dimension_numbers = #tpu.dot_dimension_numbers<[1], [0], [0], [1], [0, 0, 1, 1], [], []>, transpose_lhs_hint = false} : vector<1x128xf32>, vector<128x128xf32>, vector<1x128xf32> -> vector<1x128xf32>
    %max3A_894 = arith.constant 1.000000e+00 : f32
    %max3A_895 = vector.broadcast %max3A_894 : f32 to vector<128x1xf32>
    %max3A_896 = arith.maximumf %dot_general3A_891, %max3A_895 : vector<128x1xf32>
    %rsqrt3A_897 = math.rsqrt %max3A_896 : vector<128x1xf32>
    %max3A_898 = arith.constant 1.000000e+00 : f32
    %max3A_899 = vector.broadcast %max3A_898 : f32 to vector<1x128xf32>
    %max3A_900 = arith.maximumf %dot_general3A_893, %max3A_899 : vector<1x128xf32>
    %rsqrt3A_901 = math.rsqrt %max3A_900 : vector<1x128xf32>
    %mul3A_902 = vector.broadcast %rsqrt3A_897 : vector<128x1xf32> to vector<128x128xf32>
    %mul3A_903 = arith.mulf %get3A_889, %mul3A_902 : vector<128x128xf32>
    %mul3A_904 = vector.broadcast %rsqrt3A_901 : vector<1x128xf32> to vector<128x128xf32>
    %mul3A_905 = arith.mulf %mul3A_903, %mul3A_904 : vector<128x128xf32>
    %get3A_906 = arith.constant 7 : index
    %get3A_907 = arith.constant 0 : index
    %get3A_908 = arith.constant 0 : index
    %get3A_909 = vector.load %arg2[%get3A_906, %get3A_907, %get3A_908] : memref<10x128x128xf32, #tpu.memory_space<vmem>>, vector<1x128x128xf32>
    %get3A_910 = vector.shape_cast %get3A_909 : vector<1x128x128xf32> to vector<128x128xf32>
    %dot_general3A_911 = arith.constant dense<0.000000e+00> : vector<128x128xf32>
    %dot_general3A_912 = tpu.matmul %mul3A_905, %get3A_910, %dot_general3A_911 {dimension_numbers = #tpu.dot_dimension_numbers<[1], [0], [0], [1], [0, 0, 1, 1], [], []>, precision = #tpu.contract_precision<fp32>, transpose_lhs_hint = false} : vector<128x128xf32>, vector<128x128xf32>, vector<128x128xf32> -> vector<128x128xf32>
    %get3A_913 = arith.constant 0 : index
    %get3A_914 = arith.constant 0 : index
    %get3A_915 = vector.load %arg3[%get3A_913, %get3A_914] : memref<128x128xf32, #tpu.memory_space<vmem>>, vector<128x128xf32>
    %dot_general3A_916 = arith.constant dense<0.000000e+00> : vector<128x128xf32>
    %dot_general3A_917 = tpu.matmul %dot_general3A_912, %get3A_915, %dot_general3A_916 {dimension_numbers = #tpu.dot_dimension_numbers<[1], [0], [0], [1], [0, 0, 1, 1], [], []>, transpose_lhs_hint = false} : vector<128x128xf32>, vector<128x128xf32>, vector<128x128xf32> -> vector<128x128xf32>
    %get3A_918 = arith.constant 0 : index
    %get3A_919 = arith.constant 0 : index
    %get3A_920 = vector.load %arg4[%get3A_918, %get3A_919] : memref<1x128xf32, #tpu.memory_space<vmem>>, vector<1x128xf32>
    %add3A_921 = vector.broadcast %get3A_920 : vector<1x128xf32> to vector<128x128xf32>
    %add3A_922 = arith.addf %dot_general3A_917, %add3A_921 : vector<128x128xf32>
    %max3A_923 = arith.constant 0.000000e+00 : f32
    %max3A_924 = vector.broadcast %max3A_923 : f32 to vector<128x128xf32>
    %max3A_925 = arith.maximumf %add3A_922, %max3A_924 : vector<128x128xf32>
    %dot_general3A_926 = arith.constant dense<0.000000e+00> : vector<128x128xf32>
    %dot_general3A_927 = tpu.matmul %mul3A_905, %max3A_925, %dot_general3A_926 {dimension_numbers = #tpu.dot_dimension_numbers<[1], [0], [0], [1], [0, 0, 1, 1], [], []>, precision = #tpu.contract_precision<fp32>, transpose_lhs_hint = false} : vector<128x128xf32>, vector<128x128xf32>, vector<128x128xf32> -> vector<128x128xf32>
    %get3A_928 = arith.constant 0 : index
    %get3A_929 = arith.constant 0 : index
    %get3A_930 = vector.load %arg5[%get3A_928, %get3A_929] : memref<128x128xf32, #tpu.memory_space<vmem>>, vector<128x128xf32>
    %dot_general3A_931 = arith.constant dense<0.000000e+00> : vector<128x128xf32>
    %dot_general3A_932 = tpu.matmul %dot_general3A_927, %get3A_930, %dot_general3A_931 {dimension_numbers = #tpu.dot_dimension_numbers<[1], [0], [0], [1], [0, 0, 1, 1], [], []>, transpose_lhs_hint = false} : vector<128x128xf32>, vector<128x128xf32>, vector<128x128xf32> -> vector<128x128xf32>
    %get3A_933 = arith.constant 0 : index
    %get3A_934 = arith.constant 0 : index
    %get3A_935 = vector.load %arg6[%get3A_933, %get3A_934] : memref<1x128xf32, #tpu.memory_space<vmem>>, vector<1x128xf32>
    %add3A_936 = vector.broadcast %get3A_935 : vector<1x128xf32> to vector<128x128xf32>
    %add3A_937 = arith.addf %dot_general3A_932, %add3A_936 : vector<128x128xf32>
    %max3A_938 = arith.constant 0.000000e+00 : f32
    %max3A_939 = vector.broadcast %max3A_938 : f32 to vector<128x128xf32>
    %max3A_940 = arith.maximumf %add3A_937, %max3A_939 : vector<128x128xf32>
    %slice3A_941 = vector.extract_strided_slice %max3A_940 {offsets = [0, 127], sizes = [128, 1], strides = [1, 1]} : vector<128x128xf32> to vector<128x1xf32>
    %jit3A_942 = arith.constant -1.000000e+00 : f32
    %broadcast_in_dim3A_943 = vector.broadcast %jit3A_942 : f32 to vector<128x1xf32>
    %select_n3A_944 = arith.select %lt3A_2, %slice3A_941, %broadcast_in_dim3A_943 : vector<128x1xi1>, vector<128x1xf32>
    %transpose3A_945 = tpu.transpose %max3A_940, [1, 0] : vector<128x128xf32> -> vector<128x128xf32>
    %lt3A_946 = arith.constant 100 : i32
    %lt3A_947 = vector.broadcast %lt3A_946 : i32 to vector<1x128xi32>
    %lt3A_948 = arith.cmpi slt, %iota3A_0, %lt3A_947 : vector<1x128xi32>
    %slice3A_949 = vector.extract_strided_slice %transpose3A_945 {offsets = [127, 0], sizes = [1, 128], strides = [1, 1]} : vector<128x128xf32> to vector<1x128xf32>
    %jit3A_950 = arith.constant -1.000000e+00 : f32
    %broadcast_in_dim3A_951 = vector.broadcast %jit3A_950 : f32 to vector<1x128xf32>
    %select_n3A_952 = arith.select %lt3A_948, %slice3A_949, %broadcast_in_dim3A_951 : vector<1x128xi1>, vector<1x128xf32>
    %gt3A_953 = vector.broadcast %select_n3A_944 : vector<128x1xf32> to vector<128x128xf32>
    %gt3A_954 = vector.broadcast %select_n3A_952 : vector<1x128xf32> to vector<128x128xf32>
    %gt3A_955 = arith.cmpf ogt, %gt3A_953, %gt3A_954 : vector<128x128xf32>
    %eq3A_956 = vector.broadcast %select_n3A_944 : vector<128x1xf32> to vector<128x128xf32>
    %eq3A_957 = vector.broadcast %select_n3A_952 : vector<1x128xf32> to vector<128x128xf32>
    %eq3A_958 = arith.cmpf oeq, %eq3A_956, %eq3A_957 : vector<128x128xf32>
    %lt3A_959 = vector.broadcast %iota3A : vector<128x1xi32> to vector<128x128xi32>
    %lt3A_960 = vector.broadcast %iota3A_0 : vector<1x128xi32> to vector<128x128xi32>
    %lt3A_961 = arith.cmpi slt, %lt3A_959, %lt3A_960 : vector<128x128xi32>
    %and3A_962 = arith.andi %eq3A_958, %lt3A_961 : vector<128x128xi1>
    %or3A_963 = arith.ori %gt3A_955, %and3A_962 : vector<128x128xi1>
    %jit3A_964 = arith.constant 1.000000e+00 : f32
    %jit3A_965 = arith.constant 0.000000e+00 : f32
    %broadcast_in_dim3A_966 = vector.broadcast %jit3A_964 : f32 to vector<128x128xf32>
    %broadcast_in_dim3A_967 = vector.broadcast %jit3A_965 : f32 to vector<128x128xf32>
    %select_n3A_968 = arith.select %or3A_963, %broadcast_in_dim3A_966, %broadcast_in_dim3A_967 : vector<128x128xi1>, vector<128x128xf32>
    %dot_general3A_969 = arith.constant dense<0.000000e+00> : vector<1x128xf32>
    %dot_general3A_970 = tpu.matmul %broadcast_in_dim3A_5, %select_n3A_968, %dot_general3A_969 {dimension_numbers = #tpu.dot_dimension_numbers<[1], [0], [0], [1], [0, 0, 1, 1], [], []>, transpose_lhs_hint = false} : vector<1x128xf32>, vector<128x128xf32>, vector<1x128xf32> -> vector<1x128xf32>
    %convert_element_type3A_971 = arith.sitofp %iota3A : vector<128x1xi32> to vector<128x1xf32>
    %eq3A_972 = vector.broadcast %dot_general3A_970 : vector<1x128xf32> to vector<128x128xf32>
    %eq3A_973 = vector.broadcast %convert_element_type3A_971 : vector<128x1xf32> to vector<128x128xf32>
    %eq3A_974 = arith.cmpf oeq, %eq3A_972, %eq3A_973 : vector<128x128xf32>
    %jit3A_975 = arith.constant 1.000000e+00 : f32
    %jit3A_976 = arith.constant 0.000000e+00 : f32
    %broadcast_in_dim3A_977 = vector.broadcast %jit3A_975 : f32 to vector<128x128xf32>
    %broadcast_in_dim3A_978 = vector.broadcast %jit3A_976 : f32 to vector<128x128xf32>
    %select_n3A_979 = arith.select %eq3A_974, %broadcast_in_dim3A_977, %broadcast_in_dim3A_978 : vector<128x128xi1>, vector<128x128xf32>
    %dot_general3A_980 = arith.constant dense<0.000000e+00> : vector<128x128xf32>
    %dot_general3A_981 = tpu.matmul %select_n3A_979, %max3A_940, %dot_general3A_980 {dimension_numbers = #tpu.dot_dimension_numbers<[1], [0], [0], [1], [0, 0, 1, 1], [], []>, transpose_lhs_hint = false} : vector<128x128xf32>, vector<128x128xf32>, vector<128x128xf32> -> vector<128x128xf32>
    %slice3A_982 = vector.extract_strided_slice %dot_general3A_981 {offsets = [0, 0], sizes = [1, 128], strides = [1, 1]} : vector<128x128xf32> to vector<1x128xf32>
    %slice3A_983 = vector.extract_strided_slice %dot_general3A_981 {offsets = [1, 0], sizes = [1, 128], strides = [1, 1]} : vector<128x128xf32> to vector<1x128xf32>
    %slice3A_984 = vector.extract_strided_slice %dot_general3A_981 {offsets = [2, 0], sizes = [1, 128], strides = [1, 1]} : vector<128x128xf32> to vector<1x128xf32>
    %concatenate3A_985 = tpu.concatenate %slice3A_982, %slice3A_983, %slice3A_984 in 1 : vector<1x128xf32>, vector<1x128xf32>, vector<1x128xf32> -> vector<1x384xf32>
    %get3A_986 = arith.constant 0 : index
    %get3A_987 = arith.constant 0 : index
    %get3A_988 = vector.load %arg7[%get3A_986, %get3A_987] : memref<384x128xf32, #tpu.memory_space<vmem>>, vector<384x128xf32>
    %dot_general3A_989 = arith.constant dense<0.000000e+00> : vector<1x128xf32>
    %dot_general3A_990 = tpu.matmul %concatenate3A_985, %get3A_988, %dot_general3A_989 {dimension_numbers = #tpu.dot_dimension_numbers<[1], [0], [0], [1], [0, 0, 1, 1], [], []>, transpose_lhs_hint = false} : vector<1x384xf32>, vector<384x128xf32>, vector<1x128xf32> -> vector<1x128xf32>
    %get3A_991 = arith.constant 0 : index
    %get3A_992 = arith.constant 0 : index
    %get3A_993 = vector.load %arg8[%get3A_991, %get3A_992] : memref<1x128xf32, #tpu.memory_space<vmem>>, vector<1x128xf32>
    %add3A_994 = arith.addf %dot_general3A_990, %get3A_993 : vector<1x128xf32>
    %max3A_995 = arith.constant 0.000000e+00 : f32
    %max3A_996 = vector.broadcast %max3A_995 : f32 to vector<1x128xf32>
    %max3A_997 = arith.maximumf %add3A_994, %max3A_996 : vector<1x128xf32>
    %get3A_998 = arith.constant 0 : index
    %get3A_999 = arith.constant 0 : index
    %get3A_1000 = vector.load %arg9[%get3A_998, %get3A_999] : memref<128x128xf32, #tpu.memory_space<vmem>>, vector<128x128xf32>
    %dot_general3A_1001 = arith.constant dense<0.000000e+00> : vector<1x128xf32>
    %dot_general3A_1002 = tpu.matmul %max3A_997, %get3A_1000, %dot_general3A_1001 {dimension_numbers = #tpu.dot_dimension_numbers<[1], [0], [0], [1], [0, 0, 1, 1], [], []>, transpose_lhs_hint = false} : vector<1x128xf32>, vector<128x128xf32>, vector<1x128xf32> -> vector<1x128xf32>
    %get3A_1003 = arith.constant 0 : index
    %get3A_1004 = arith.constant 0 : index
    %get3A_1005 = vector.load %arg10[%get3A_1003, %get3A_1004] : memref<1x128xf32, #tpu.memory_space<vmem>>, vector<1x128xf32>
    %add3A_1006 = arith.addf %dot_general3A_1002, %get3A_1005 : vector<1x128xf32>
    %swap3A_1007 = arith.constant 7 : index
    %swap3A_1008 = arith.constant 0 : index
    %swap3A_1009 = arith.constant 0 : index
    %swap3A_1010 = vector.load %arg11[%swap3A_1007, %swap3A_1008, %swap3A_1009] : memref<10x1x128xf32, #tpu.memory_space<vmem>>, vector<1x1x128xf32>
    %swap3A_1011 = vector.shape_cast %swap3A_1010 : vector<1x1x128xf32> to vector<1x128xf32>
    %swap3A_1012 = vector.shape_cast %add3A_1006 : vector<1x128xf32> to vector<1x1x128xf32>
    tpu.vector_store %arg11[%swap3A_1007, %swap3A_1008, %swap3A_1009], %swap3A_1012 {strides = array<i32>} : memref<10x1x128xf32, #tpu.memory_space<vmem>>, vector<1x1x128xf32>,
    %get3A_1013 = arith.constant 8 : index
    %get3A_1014 = arith.constant 0 : index
    %get3A_1015 = arith.constant 0 : index
    %get3A_1016 = vector.load %arg1[%get3A_1013, %get3A_1014, %get3A_1015] : memref<10x128x128xf32, #tpu.memory_space<vmem>>, vector<1x128x128xf32>
    %get3A_1017 = vector.shape_cast %get3A_1016 : vector<1x128x128xf32> to vector<128x128xf32>
    %dot_general3A_1018 = arith.constant dense<0.000000e+00> : vector<128x1xf32>
    %dot_general3A_1019 = tpu.matmul %get3A_1017, %broadcast_in_dim3A_3, %dot_general3A_1018 {dimension_numbers = #tpu.dot_dimension_numbers<[1], [0], [0], [1], [0, 0, 1, 1], [], []>, transpose_lhs_hint = false} : vector<128x128xf32>, vector<128x1xf32>, vector<128x1xf32> -> vector<128x1xf32>
    %dot_general3A_1020 = arith.constant dense<0.000000e+00> : vector<1x128xf32>
    %dot_general3A_1021 = tpu.matmul %broadcast_in_dim3A_5, %get3A_1017, %dot_general3A_1020 {dimension_numbers = #tpu.dot_dimension_numbers<[1], [0], [0], [1], [0, 0, 1, 1], [], []>, transpose_lhs_hint = false} : vector<1x128xf32>, vector<128x128xf32>, vector<1x128xf32> -> vector<1x128xf32>
    %max3A_1022 = arith.constant 1.000000e+00 : f32
    %max3A_1023 = vector.broadcast %max3A_1022 : f32 to vector<128x1xf32>
    %max3A_1024 = arith.maximumf %dot_general3A_1019, %max3A_1023 : vector<128x1xf32>
    %rsqrt3A_1025 = math.rsqrt %max3A_1024 : vector<128x1xf32>
    %max3A_1026 = arith.constant 1.000000e+00 : f32
    %max3A_1027 = vector.broadcast %max3A_1026 : f32 to vector<1x128xf32>
    %max3A_1028 = arith.maximumf %dot_general3A_1021, %max3A_1027 : vector<1x128xf32>
    %rsqrt3A_1029 = math.rsqrt %max3A_1028 : vector<1x128xf32>
    %mul3A_1030 = vector.broadcast %rsqrt3A_1025 : vector<128x1xf32> to vector<128x128xf32>
    %mul3A_1031 = arith.mulf %get3A_1017, %mul3A_1030 : vector<128x128xf32>
    %mul3A_1032 = vector.broadcast %rsqrt3A_1029 : vector<1x128xf32> to vector<128x128xf32>
    %mul3A_1033 = arith.mulf %mul3A_1031, %mul3A_1032 : vector<128x128xf32>
    %get3A_1034 = arith.constant 8 : index
    %get3A_1035 = arith.constant 0 : index
    %get3A_1036 = arith.constant 0 : index
    %get3A_1037 = vector.load %arg2[%get3A_1034, %get3A_1035, %get3A_1036] : memref<10x128x128xf32, #tpu.memory_space<vmem>>, vector<1x128x128xf32>
    %get3A_1038 = vector.shape_cast %get3A_1037 : vector<1x128x128xf32> to vector<128x128xf32>
    %dot_general3A_1039 = arith.constant dense<0.000000e+00> : vector<128x128xf32>
    %dot_general3A_1040 = tpu.matmul %mul3A_1033, %get3A_1038, %dot_general3A_1039 {dimension_numbers = #tpu.dot_dimension_numbers<[1], [0], [0], [1], [0, 0, 1, 1], [], []>, precision = #tpu.contract_precision<fp32>, transpose_lhs_hint = false} : vector<128x128xf32>, vector<128x128xf32>, vector<128x128xf32> -> vector<128x128xf32>
    %get3A_1041 = arith.constant 0 : index
    %get3A_1042 = arith.constant 0 : index
    %get3A_1043 = vector.load %arg3[%get3A_1041, %get3A_1042] : memref<128x128xf32, #tpu.memory_space<vmem>>, vector<128x128xf32>
    %dot_general3A_1044 = arith.constant dense<0.000000e+00> : vector<128x128xf32>
    %dot_general3A_1045 = tpu.matmul %dot_general3A_1040, %get3A_1043, %dot_general3A_1044 {dimension_numbers = #tpu.dot_dimension_numbers<[1], [0], [0], [1], [0, 0, 1, 1], [], []>, transpose_lhs_hint = false} : vector<128x128xf32>, vector<128x128xf32>, vector<128x128xf32> -> vector<128x128xf32>
    %get3A_1046 = arith.constant 0 : index
    %get3A_1047 = arith.constant 0 : index
    %get3A_1048 = vector.load %arg4[%get3A_1046, %get3A_1047] : memref<1x128xf32, #tpu.memory_space<vmem>>, vector<1x128xf32>
    %add3A_1049 = vector.broadcast %get3A_1048 : vector<1x128xf32> to vector<128x128xf32>
    %add3A_1050 = arith.addf %dot_general3A_1045, %add3A_1049 : vector<128x128xf32>
    %max3A_1051 = arith.constant 0.000000e+00 : f32
    %max3A_1052 = vector.broadcast %max3A_1051 : f32 to vector<128x128xf32>
    %max3A_1053 = arith.maximumf %add3A_1050, %max3A_1052 : vector<128x128xf32>
    %dot_general3A_1054 = arith.constant dense<0.000000e+00> : vector<128x128xf32>
    %dot_general3A_1055 = tpu.matmul %mul3A_1033, %max3A_1053, %dot_general3A_1054 {dimension_numbers = #tpu.dot_dimension_numbers<[1], [0], [0], [1], [0, 0, 1, 1], [], []>, precision = #tpu.contract_precision<fp32>, transpose_lhs_hint = false} : vector<128x128xf32>, vector<128x128xf32>, vector<128x128xf32> -> vector<128x128xf32>
    %get3A_1056 = arith.constant 0 : index
    %get3A_1057 = arith.constant 0 : index
    %get3A_1058 = vector.load %arg5[%get3A_1056, %get3A_1057] : memref<128x128xf32, #tpu.memory_space<vmem>>, vector<128x128xf32>
    %dot_general3A_1059 = arith.constant dense<0.000000e+00> : vector<128x128xf32>
    %dot_general3A_1060 = tpu.matmul %dot_general3A_1055, %get3A_1058, %dot_general3A_1059 {dimension_numbers = #tpu.dot_dimension_numbers<[1], [0], [0], [1], [0, 0, 1, 1], [], []>, transpose_lhs_hint = false} : vector<128x128xf32>, vector<128x128xf32>, vector<128x128xf32> -> vector<128x128xf32>
    %get3A_1061 = arith.constant 0 : index
    %get3A_1062 = arith.constant 0 : index
    %get3A_1063 = vector.load %arg6[%get3A_1061, %get3A_1062] : memref<1x128xf32, #tpu.memory_space<vmem>>, vector<1x128xf32>
    %add3A_1064 = vector.broadcast %get3A_1063 : vector<1x128xf32> to vector<128x128xf32>
    %add3A_1065 = arith.addf %dot_general3A_1060, %add3A_1064 : vector<128x128xf32>
    %max3A_1066 = arith.constant 0.000000e+00 : f32
    %max3A_1067 = vector.broadcast %max3A_1066 : f32 to vector<128x128xf32>
    %max3A_1068 = arith.maximumf %add3A_1065, %max3A_1067 : vector<128x128xf32>
    %slice3A_1069 = vector.extract_strided_slice %max3A_1068 {offsets = [0, 127], sizes = [128, 1], strides = [1, 1]} : vector<128x128xf32> to vector<128x1xf32>
    %jit3A_1070 = arith.constant -1.000000e+00 : f32
    %broadcast_in_dim3A_1071 = vector.broadcast %jit3A_1070 : f32 to vector<128x1xf32>
    %select_n3A_1072 = arith.select %lt3A_2, %slice3A_1069, %broadcast_in_dim3A_1071 : vector<128x1xi1>, vector<128x1xf32>
    %transpose3A_1073 = tpu.transpose %max3A_1068, [1, 0] : vector<128x128xf32> -> vector<128x128xf32>
    %lt3A_1074 = arith.constant 100 : i32
    %lt3A_1075 = vector.broadcast %lt3A_1074 : i32 to vector<1x128xi32>
    %lt3A_1076 = arith.cmpi slt, %iota3A_0, %lt3A_1075 : vector<1x128xi32>
    %slice3A_1077 = vector.extract_strided_slice %transpose3A_1073 {offsets = [127, 0], sizes = [1, 128], strides = [1, 1]} : vector<128x128xf32> to vector<1x128xf32>
    %jit3A_1078 = arith.constant -1.000000e+00 : f32
    %broadcast_in_dim3A_1079 = vector.broadcast %jit3A_1078 : f32 to vector<1x128xf32>
    %select_n3A_1080 = arith.select %lt3A_1076, %slice3A_1077, %broadcast_in_dim3A_1079 : vector<1x128xi1>, vector<1x128xf32>
    %gt3A_1081 = vector.broadcast %select_n3A_1072 : vector<128x1xf32> to vector<128x128xf32>
    %gt3A_1082 = vector.broadcast %select_n3A_1080 : vector<1x128xf32> to vector<128x128xf32>
    %gt3A_1083 = arith.cmpf ogt, %gt3A_1081, %gt3A_1082 : vector<128x128xf32>
    %eq3A_1084 = vector.broadcast %select_n3A_1072 : vector<128x1xf32> to vector<128x128xf32>
    %eq3A_1085 = vector.broadcast %select_n3A_1080 : vector<1x128xf32> to vector<128x128xf32>
    %eq3A_1086 = arith.cmpf oeq, %eq3A_1084, %eq3A_1085 : vector<128x128xf32>
    %lt3A_1087 = vector.broadcast %iota3A : vector<128x1xi32> to vector<128x128xi32>
    %lt3A_1088 = vector.broadcast %iota3A_0 : vector<1x128xi32> to vector<128x128xi32>
    %lt3A_1089 = arith.cmpi slt, %lt3A_1087, %lt3A_1088 : vector<128x128xi32>
    %and3A_1090 = arith.andi %eq3A_1086, %lt3A_1089 : vector<128x128xi1>
    %or3A_1091 = arith.ori %gt3A_1083, %and3A_1090 : vector<128x128xi1>
    %jit3A_1092 = arith.constant 1.000000e+00 : f32
    %jit3A_1093 = arith.constant 0.000000e+00 : f32
    %broadcast_in_dim3A_1094 = vector.broadcast %jit3A_1092 : f32 to vector<128x128xf32>
    %broadcast_in_dim3A_1095 = vector.broadcast %jit3A_1093 : f32 to vector<128x128xf32>
    %select_n3A_1096 = arith.select %or3A_1091, %broadcast_in_dim3A_1094, %broadcast_in_dim3A_1095 : vector<128x128xi1>, vector<128x128xf32>
    %dot_general3A_1097 = arith.constant dense<0.000000e+00> : vector<1x128xf32>
    %dot_general3A_1098 = tpu.matmul %broadcast_in_dim3A_5, %select_n3A_1096, %dot_general3A_1097 {dimension_numbers = #tpu.dot_dimension_numbers<[1], [0], [0], [1], [0, 0, 1, 1], [], []>, transpose_lhs_hint = false} : vector<1x128xf32>, vector<128x128xf32>, vector<1x128xf32> -> vector<1x128xf32>
    %convert_element_type3A_1099 = arith.sitofp %iota3A : vector<128x1xi32> to vector<128x1xf32>
    %eq3A_1100 = vector.broadcast %dot_general3A_1098 : vector<1x128xf32> to vector<128x128xf32>
    %eq3A_1101 = vector.broadcast %convert_element_type3A_1099 : vector<128x1xf32> to vector<128x128xf32>
    %eq3A_1102 = arith.cmpf oeq, %eq3A_1100, %eq3A_1101 : vector<128x128xf32>
    %jit3A_1103 = arith.constant 1.000000e+00 : f32
    %jit3A_1104 = arith.constant 0.000000e+00 : f32
    %broadcast_in_dim3A_1105 = vector.broadcast %jit3A_1103 : f32 to vector<128x128xf32>
    %broadcast_in_dim3A_1106 = vector.broadcast %jit3A_1104 : f32 to vector<128x128xf32>
    %select_n3A_1107 = arith.select %eq3A_1102, %broadcast_in_dim3A_1105, %broadcast_in_dim3A_1106 : vector<128x128xi1>, vector<128x128xf32>
    %dot_general3A_1108 = arith.constant dense<0.000000e+00> : vector<128x128xf32>
    %dot_general3A_1109 = tpu.matmul %select_n3A_1107, %max3A_1068, %dot_general3A_1108 {dimension_numbers = #tpu.dot_dimension_numbers<[1], [0], [0], [1], [0, 0, 1, 1], [], []>, transpose_lhs_hint = false} : vector<128x128xf32>, vector<128x128xf32>, vector<128x128xf32> -> vector<128x128xf32>
    %slice3A_1110 = vector.extract_strided_slice %dot_general3A_1109 {offsets = [0, 0], sizes = [1, 128], strides = [1, 1]} : vector<128x128xf32> to vector<1x128xf32>
    %slice3A_1111 = vector.extract_strided_slice %dot_general3A_1109 {offsets = [1, 0], sizes = [1, 128], strides = [1, 1]} : vector<128x128xf32> to vector<1x128xf32>
    %slice3A_1112 = vector.extract_strided_slice %dot_general3A_1109 {offsets = [2, 0], sizes = [1, 128], strides = [1, 1]} : vector<128x128xf32> to vector<1x128xf32>
    %concatenate3A_1113 = tpu.concatenate %slice3A_1110, %slice3A_1111, %slice3A_1112 in 1 : vector<1x128xf32>, vector<1x128xf32>, vector<1x128xf32> -> vector<1x384xf32>
    %get3A_1114 = arith.constant 0 : index
    %get3A_1115 = arith.constant 0 : index
    %get3A_1116 = vector.load %arg7[%get3A_1114, %get3A_1115] : memref<384x128xf32, #tpu.memory_space<vmem>>, vector<384x128xf32>
    %dot_general3A_1117 = arith.constant dense<0.000000e+00> : vector<1x128xf32>
    %dot_general3A_1118 = tpu.matmul %concatenate3A_1113, %get3A_1116, %dot_general3A_1117 {dimension_numbers = #tpu.dot_dimension_numbers<[1], [0], [0], [1], [0, 0, 1, 1], [], []>, transpose_lhs_hint = false} : vector<1x384xf32>, vector<384x128xf32>, vector<1x128xf32> -> vector<1x128xf32>
    %get3A_1119 = arith.constant 0 : index
    %get3A_1120 = arith.constant 0 : index
    %get3A_1121 = vector.load %arg8[%get3A_1119, %get3A_1120] : memref<1x128xf32, #tpu.memory_space<vmem>>, vector<1x128xf32>
    %add3A_1122 = arith.addf %dot_general3A_1118, %get3A_1121 : vector<1x128xf32>
    %max3A_1123 = arith.constant 0.000000e+00 : f32
    %max3A_1124 = vector.broadcast %max3A_1123 : f32 to vector<1x128xf32>
    %max3A_1125 = arith.maximumf %add3A_1122, %max3A_1124 : vector<1x128xf32>
    %get3A_1126 = arith.constant 0 : index
    %get3A_1127 = arith.constant 0 : index
    %get3A_1128 = vector.load %arg9[%get3A_1126, %get3A_1127] : memref<128x128xf32, #tpu.memory_space<vmem>>, vector<128x128xf32>
    %dot_general3A_1129 = arith.constant dense<0.000000e+00> : vector<1x128xf32>
    %dot_general3A_1130 = tpu.matmul %max3A_1125, %get3A_1128, %dot_general3A_1129 {dimension_numbers = #tpu.dot_dimension_numbers<[1], [0], [0], [1], [0, 0, 1, 1], [], []>, transpose_lhs_hint = false} : vector<1x128xf32>, vector<128x128xf32>, vector<1x128xf32> -> vector<1x128xf32>
    %get3A_1131 = arith.constant 0 : index
    %get3A_1132 = arith.constant 0 : index
    %get3A_1133 = vector.load %arg10[%get3A_1131, %get3A_1132] : memref<1x128xf32, #tpu.memory_space<vmem>>, vector<1x128xf32>
    %add3A_1134 = arith.addf %dot_general3A_1130, %get3A_1133 : vector<1x128xf32>
    %swap3A_1135 = arith.constant 8 : index
    %swap3A_1136 = arith.constant 0 : index
    %swap3A_1137 = arith.constant 0 : index
    %swap3A_1138 = vector.load %arg11[%swap3A_1135, %swap3A_1136, %swap3A_1137] : memref<10x1x128xf32, #tpu.memory_space<vmem>>, vector<1x1x128xf32>
    %swap3A_1139 = vector.shape_cast %swap3A_1138 : vector<1x1x128xf32> to vector<1x128xf32>
    %swap3A_1140 = vector.shape_cast %add3A_1134 : vector<1x128xf32> to vector<1x1x128xf32>
    tpu.vector_store %arg11[%swap3A_1135, %swap3A_1136, %swap3A_1137], %swap3A_1140 {strides = array<i32>} : memref<10x1x128xf32, #tpu.memory_space<vmem>>, vector<1x1x128xf32>,
    %get3A_1141 = arith.constant 9 : index
    %get3A_1142 = arith.constant 0 : index
    %get3A_1143 = arith.constant 0 : index
    %get3A_1144 = vector.load %arg1[%get3A_1141, %get3A_1142, %get3A_1143] : memref<10x128x128xf32, #tpu.memory_space<vmem>>, vector<1x128x128xf32>
    %get3A_1145 = vector.shape_cast %get3A_1144 : vector<1x128x128xf32> to vector<128x128xf32>
    %dot_general3A_1146 = arith.constant dense<0.000000e+00> : vector<128x1xf32>
    %dot_general3A_1147 = tpu.matmul %get3A_1145, %broadcast_in_dim3A_3, %dot_general3A_1146 {dimension_numbers = #tpu.dot_dimension_numbers<[1], [0], [0], [1], [0, 0, 1, 1], [], []>, transpose_lhs_hint = false} : vector<128x128xf32>, vector<128x1xf32>, vector<128x1xf32> -> vector<128x1xf32>
    %dot_general3A_1148 = arith.constant dense<0.000000e+00> : vector<1x128xf32>
    %dot_general3A_1149 = tpu.matmul %broadcast_in_dim3A_5, %get3A_1145, %dot_general3A_1148 {dimension_numbers = #tpu.dot_dimension_numbers<[1], [0], [0], [1], [0, 0, 1, 1], [], []>, transpose_lhs_hint = false} : vector<1x128xf32>, vector<128x128xf32>, vector<1x128xf32> -> vector<1x128xf32>
    %max3A_1150 = arith.constant 1.000000e+00 : f32
    %max3A_1151 = vector.broadcast %max3A_1150 : f32 to vector<128x1xf32>
    %max3A_1152 = arith.maximumf %dot_general3A_1147, %max3A_1151 : vector<128x1xf32>
    %rsqrt3A_1153 = math.rsqrt %max3A_1152 : vector<128x1xf32>
    %max3A_1154 = arith.constant 1.000000e+00 : f32
    %max3A_1155 = vector.broadcast %max3A_1154 : f32 to vector<1x128xf32>
    %max3A_1156 = arith.maximumf %dot_general3A_1149, %max3A_1155 : vector<1x128xf32>
    %rsqrt3A_1157 = math.rsqrt %max3A_1156 : vector<1x128xf32>
    %mul3A_1158 = vector.broadcast %rsqrt3A_1153 : vector<128x1xf32> to vector<128x128xf32>
    %mul3A_1159 = arith.mulf %get3A_1145, %mul3A_1158 : vector<128x128xf32>
    %mul3A_1160 = vector.broadcast %rsqrt3A_1157 : vector<1x128xf32> to vector<128x128xf32>
    %mul3A_1161 = arith.mulf %mul3A_1159, %mul3A_1160 : vector<128x128xf32>
    %get3A_1162 = arith.constant 9 : index
    %get3A_1163 = arith.constant 0 : index
    %get3A_1164 = arith.constant 0 : index
    %get3A_1165 = vector.load %arg2[%get3A_1162, %get3A_1163, %get3A_1164] : memref<10x128x128xf32, #tpu.memory_space<vmem>>, vector<1x128x128xf32>
    %get3A_1166 = vector.shape_cast %get3A_1165 : vector<1x128x128xf32> to vector<128x128xf32>
    %dot_general3A_1167 = arith.constant dense<0.000000e+00> : vector<128x128xf32>
    %dot_general3A_1168 = tpu.matmul %mul3A_1161, %get3A_1166, %dot_general3A_1167 {dimension_numbers = #tpu.dot_dimension_numbers<[1], [0], [0], [1], [0, 0, 1, 1], [], []>, precision = #tpu.contract_precision<fp32>, transpose_lhs_hint = false} : vector<128x128xf32>, vector<128x128xf32>, vector<128x128xf32> -> vector<128x128xf32>
    %get3A_1169 = arith.constant 0 : index
    %get3A_1170 = arith.constant 0 : index
    %get3A_1171 = vector.load %arg3[%get3A_1169, %get3A_1170] : memref<128x128xf32, #tpu.memory_space<vmem>>, vector<128x128xf32>
    %dot_general3A_1172 = arith.constant dense<0.000000e+00> : vector<128x128xf32>
    %dot_general3A_1173 = tpu.matmul %dot_general3A_1168, %get3A_1171, %dot_general3A_1172 {dimension_numbers = #tpu.dot_dimension_numbers<[1], [0], [0], [1], [0, 0, 1, 1], [], []>, transpose_lhs_hint = false} : vector<128x128xf32>, vector<128x128xf32>, vector<128x128xf32> -> vector<128x128xf32>
    %get3A_1174 = arith.constant 0 : index
    %get3A_1175 = arith.constant 0 : index
    %get3A_1176 = vector.load %arg4[%get3A_1174, %get3A_1175] : memref<1x128xf32, #tpu.memory_space<vmem>>, vector<1x128xf32>
    %add3A_1177 = vector.broadcast %get3A_1176 : vector<1x128xf32> to vector<128x128xf32>
    %add3A_1178 = arith.addf %dot_general3A_1173, %add3A_1177 : vector<128x128xf32>
    %max3A_1179 = arith.constant 0.000000e+00 : f32
    %max3A_1180 = vector.broadcast %max3A_1179 : f32 to vector<128x128xf32>
    %max3A_1181 = arith.maximumf %add3A_1178, %max3A_1180 : vector<128x128xf32>
    %dot_general3A_1182 = arith.constant dense<0.000000e+00> : vector<128x128xf32>
    %dot_general3A_1183 = tpu.matmul %mul3A_1161, %max3A_1181, %dot_general3A_1182 {dimension_numbers = #tpu.dot_dimension_numbers<[1], [0], [0], [1], [0, 0, 1, 1], [], []>, precision = #tpu.contract_precision<fp32>, transpose_lhs_hint = false} : vector<128x128xf32>, vector<128x128xf32>, vector<128x128xf32> -> vector<128x128xf32>
    %get3A_1184 = arith.constant 0 : index
    %get3A_1185 = arith.constant 0 : index
    %get3A_1186 = vector.load %arg5[%get3A_1184, %get3A_1185] : memref<128x128xf32, #tpu.memory_space<vmem>>, vector<128x128xf32>
    %dot_general3A_1187 = arith.constant dense<0.000000e+00> : vector<128x128xf32>
    %dot_general3A_1188 = tpu.matmul %dot_general3A_1183, %get3A_1186, %dot_general3A_1187 {dimension_numbers = #tpu.dot_dimension_numbers<[1], [0], [0], [1], [0, 0, 1, 1], [], []>, transpose_lhs_hint = false} : vector<128x128xf32>, vector<128x128xf32>, vector<128x128xf32> -> vector<128x128xf32>
    %get3A_1189 = arith.constant 0 : index
    %get3A_1190 = arith.constant 0 : index
    %get3A_1191 = vector.load %arg6[%get3A_1189, %get3A_1190] : memref<1x128xf32, #tpu.memory_space<vmem>>, vector<1x128xf32>
    %add3A_1192 = vector.broadcast %get3A_1191 : vector<1x128xf32> to vector<128x128xf32>
    %add3A_1193 = arith.addf %dot_general3A_1188, %add3A_1192 : vector<128x128xf32>
    %max3A_1194 = arith.constant 0.000000e+00 : f32
    %max3A_1195 = vector.broadcast %max3A_1194 : f32 to vector<128x128xf32>
    %max3A_1196 = arith.maximumf %add3A_1193, %max3A_1195 : vector<128x128xf32>
    %slice3A_1197 = vector.extract_strided_slice %max3A_1196 {offsets = [0, 127], sizes = [128, 1], strides = [1, 1]} : vector<128x128xf32> to vector<128x1xf32>
    %jit3A_1198 = arith.constant -1.000000e+00 : f32
    %broadcast_in_dim3A_1199 = vector.broadcast %jit3A_1198 : f32 to vector<128x1xf32>
    %select_n3A_1200 = arith.select %lt3A_2, %slice3A_1197, %broadcast_in_dim3A_1199 : vector<128x1xi1>, vector<128x1xf32>
    %transpose3A_1201 = tpu.transpose %max3A_1196, [1, 0] : vector<128x128xf32> -> vector<128x128xf32>
    %lt3A_1202 = arith.constant 100 : i32
    %lt3A_1203 = vector.broadcast %lt3A_1202 : i32 to vector<1x128xi32>
    %lt3A_1204 = arith.cmpi slt, %iota3A_0, %lt3A_1203 : vector<1x128xi32>
    %slice3A_1205 = vector.extract_strided_slice %transpose3A_1201 {offsets = [127, 0], sizes = [1, 128], strides = [1, 1]} : vector<128x128xf32> to vector<1x128xf32>
    %jit3A_1206 = arith.constant -1.000000e+00 : f32
    %broadcast_in_dim3A_1207 = vector.broadcast %jit3A_1206 : f32 to vector<1x128xf32>
    %select_n3A_1208 = arith.select %lt3A_1204, %slice3A_1205, %broadcast_in_dim3A_1207 : vector<1x128xi1>, vector<1x128xf32>
    %gt3A_1209 = vector.broadcast %select_n3A_1200 : vector<128x1xf32> to vector<128x128xf32>
    %gt3A_1210 = vector.broadcast %select_n3A_1208 : vector<1x128xf32> to vector<128x128xf32>
    %gt3A_1211 = arith.cmpf ogt, %gt3A_1209, %gt3A_1210 : vector<128x128xf32>
    %eq3A_1212 = vector.broadcast %select_n3A_1200 : vector<128x1xf32> to vector<128x128xf32>
    %eq3A_1213 = vector.broadcast %select_n3A_1208 : vector<1x128xf32> to vector<128x128xf32>
    %eq3A_1214 = arith.cmpf oeq, %eq3A_1212, %eq3A_1213 : vector<128x128xf32>
    %lt3A_1215 = vector.broadcast %iota3A : vector<128x1xi32> to vector<128x128xi32>
    %lt3A_1216 = vector.broadcast %iota3A_0 : vector<1x128xi32> to vector<128x128xi32>
    %lt3A_1217 = arith.cmpi slt, %lt3A_1215, %lt3A_1216 : vector<128x128xi32>
    %and3A_1218 = arith.andi %eq3A_1214, %lt3A_1217 : vector<128x128xi1>
    %or3A_1219 = arith.ori %gt3A_1211, %and3A_1218 : vector<128x128xi1>
    %jit3A_1220 = arith.constant 1.000000e+00 : f32
    %jit3A_1221 = arith.constant 0.000000e+00 : f32
    %broadcast_in_dim3A_1222 = vector.broadcast %jit3A_1220 : f32 to vector<128x128xf32>
    %broadcast_in_dim3A_1223 = vector.broadcast %jit3A_1221 : f32 to vector<128x128xf32>
    %select_n3A_1224 = arith.select %or3A_1219, %broadcast_in_dim3A_1222, %broadcast_in_dim3A_1223 : vector<128x128xi1>, vector<128x128xf32>
    %dot_general3A_1225 = arith.constant dense<0.000000e+00> : vector<1x128xf32>
    %dot_general3A_1226 = tpu.matmul %broadcast_in_dim3A_5, %select_n3A_1224, %dot_general3A_1225 {dimension_numbers = #tpu.dot_dimension_numbers<[1], [0], [0], [1], [0, 0, 1, 1], [], []>, transpose_lhs_hint = false} : vector<1x128xf32>, vector<128x128xf32>, vector<1x128xf32> -> vector<1x128xf32>
    %convert_element_type3A_1227 = arith.sitofp %iota3A : vector<128x1xi32> to vector<128x1xf32>
    %eq3A_1228 = vector.broadcast %dot_general3A_1226 : vector<1x128xf32> to vector<128x128xf32>
    %eq3A_1229 = vector.broadcast %convert_element_type3A_1227 : vector<128x1xf32> to vector<128x128xf32>
    %eq3A_1230 = arith.cmpf oeq, %eq3A_1228, %eq3A_1229 : vector<128x128xf32>
    %jit3A_1231 = arith.constant 1.000000e+00 : f32
    %jit3A_1232 = arith.constant 0.000000e+00 : f32
    %broadcast_in_dim3A_1233 = vector.broadcast %jit3A_1231 : f32 to vector<128x128xf32>
    %broadcast_in_dim3A_1234 = vector.broadcast %jit3A_1232 : f32 to vector<128x128xf32>
    %select_n3A_1235 = arith.select %eq3A_1230, %broadcast_in_dim3A_1233, %broadcast_in_dim3A_1234 : vector<128x128xi1>, vector<128x128xf32>
    %dot_general3A_1236 = arith.constant dense<0.000000e+00> : vector<128x128xf32>
    %dot_general3A_1237 = tpu.matmul %select_n3A_1235, %max3A_1196, %dot_general3A_1236 {dimension_numbers = #tpu.dot_dimension_numbers<[1], [0], [0], [1], [0, 0, 1, 1], [], []>, transpose_lhs_hint = false} : vector<128x128xf32>, vector<128x128xf32>, vector<128x128xf32> -> vector<128x128xf32>
    %slice3A_1238 = vector.extract_strided_slice %dot_general3A_1237 {offsets = [0, 0], sizes = [1, 128], strides = [1, 1]} : vector<128x128xf32> to vector<1x128xf32>
    %slice3A_1239 = vector.extract_strided_slice %dot_general3A_1237 {offsets = [1, 0], sizes = [1, 128], strides = [1, 1]} : vector<128x128xf32> to vector<1x128xf32>
    %slice3A_1240 = vector.extract_strided_slice %dot_general3A_1237 {offsets = [2, 0], sizes = [1, 128], strides = [1, 1]} : vector<128x128xf32> to vector<1x128xf32>
    %concatenate3A_1241 = tpu.concatenate %slice3A_1238, %slice3A_1239, %slice3A_1240 in 1 : vector<1x128xf32>, vector<1x128xf32>, vector<1x128xf32> -> vector<1x384xf32>
    %get3A_1242 = arith.constant 0 : index
    %get3A_1243 = arith.constant 0 : index
    %get3A_1244 = vector.load %arg7[%get3A_1242, %get3A_1243] : memref<384x128xf32, #tpu.memory_space<vmem>>, vector<384x128xf32>
    %dot_general3A_1245 = arith.constant dense<0.000000e+00> : vector<1x128xf32>
    %dot_general3A_1246 = tpu.matmul %concatenate3A_1241, %get3A_1244, %dot_general3A_1245 {dimension_numbers = #tpu.dot_dimension_numbers<[1], [0], [0], [1], [0, 0, 1, 1], [], []>, transpose_lhs_hint = false} : vector<1x384xf32>, vector<384x128xf32>, vector<1x128xf32> -> vector<1x128xf32>
    %get3A_1247 = arith.constant 0 : index
    %get3A_1248 = arith.constant 0 : index
    %get3A_1249 = vector.load %arg8[%get3A_1247, %get3A_1248] : memref<1x128xf32, #tpu.memory_space<vmem>>, vector<1x128xf32>
    %add3A_1250 = arith.addf %dot_general3A_1246, %get3A_1249 : vector<1x128xf32>
    %max3A_1251 = arith.constant 0.000000e+00 : f32
    %max3A_1252 = vector.broadcast %max3A_1251 : f32 to vector<1x128xf32>
    %max3A_1253 = arith.maximumf %add3A_1250, %max3A_1252 : vector<1x128xf32>
    %get3A_1254 = arith.constant 0 : index
    %get3A_1255 = arith.constant 0 : index
    %get3A_1256 = vector.load %arg9[%get3A_1254, %get3A_1255] : memref<128x128xf32, #tpu.memory_space<vmem>>, vector<128x128xf32>
    %dot_general3A_1257 = arith.constant dense<0.000000e+00> : vector<1x128xf32>
    %dot_general3A_1258 = tpu.matmul %max3A_1253, %get3A_1256, %dot_general3A_1257 {dimension_numbers = #tpu.dot_dimension_numbers<[1], [0], [0], [1], [0, 0, 1, 1], [], []>, transpose_lhs_hint = false} : vector<1x128xf32>, vector<128x128xf32>, vector<1x128xf32> -> vector<1x128xf32>
    %get3A_1259 = arith.constant 0 : index
    %get3A_1260 = arith.constant 0 : index
    %get3A_1261 = vector.load %arg10[%get3A_1259, %get3A_1260] : memref<1x128xf32, #tpu.memory_space<vmem>>, vector<1x128xf32>
    %add3A_1262 = arith.addf %dot_general3A_1258, %get3A_1261 : vector<1x128xf32>
    %swap3A_1263 = arith.constant 9 : index
    %swap3A_1264 = arith.constant 0 : index
    %swap3A_1265 = arith.constant 0 : index
    %swap3A_1266 = vector.load %arg11[%swap3A_1263, %swap3A_1264, %swap3A_1265] : memref<10x1x128xf32, #tpu.memory_space<vmem>>, vector<1x1x128xf32>
    %swap3A_1267 = vector.shape_cast %swap3A_1266 : vector<1x1x128xf32> to vector<1x128xf32>
    %swap3A_1268 = vector.shape_cast %add3A_1262 : vector<1x128xf32> to vector<1x1x128xf32>
    tpu.vector_store %arg11[%swap3A_1263, %swap3A_1264, %swap3A_1265], %swap3A_1268 {strides = array<i32>} : memref<10x1x128xf32, #tpu.memory_space<vmem>>, vector<1x1x128xf32>,
    return
  }
  func.func @transform_0(%arg0: i32) -> (i32, i32, i32) {
    %c0_i32 = arith.constant 0 : i32
    %c0_i32_0 = arith.constant 0 : i32
    %c0_i32_1 = arith.constant 0 : i32
    return %arg0, %c0_i32, %c0_i32_0 : i32, i32, i32
  }
  func.func @transform_1(%arg0: i32) -> (i32, i32, i32) {
    %c0_i32 = arith.constant 0 : i32
    %c0_i32_0 = arith.constant 0 : i32
    %c0_i32_1 = arith.constant 0 : i32
    return %arg0, %c0_i32, %c0_i32_0 : i32, i32, i32
  }
  func.func @transform_2(%arg0: i32) -> (i32, i32) {
    %c0_i32 = arith.constant 0 : i32
    %c0_i32_0 = arith.constant 0 : i32
    %c0_i32_1 = arith.constant 0 : i32
    return %c0_i32, %c0_i32_0 : i32, i32
  }
  func.func @transform_3(%arg0: i32) -> (i32, i32) {
    %c0_i32 = arith.constant 0 : i32
    %c0_i32_0 = arith.constant 0 : i32
    %c0_i32_1 = arith.constant 0 : i32
    return %c0_i32, %c0_i32_0 : i32, i32
  }
  func.func @transform_4(%arg0: i32) -> (i32, i32) {
    %c0_i32 = arith.constant 0 : i32
    %c0_i32_0 = arith.constant 0 : i32
    %c0_i32_1 = arith.constant 0 : i32
    return %c0_i32, %c0_i32_0 : i32, i32
  }
  func.func @transform_5(%arg0: i32) -> (i32, i32) {
    %c0_i32 = arith.constant 0 : i32
    %c0_i32_0 = arith.constant 0 : i32
    %c0_i32_1 = arith.constant 0 : i32
    return %c0_i32, %c0_i32_0 : i32, i32
  }
  func.func @transform_6(%arg0: i32) -> (i32, i32) {
    %c0_i32 = arith.constant 0 : i32
    %c0_i32_0 = arith.constant 0 : i32
    %c0_i32_1 = arith.constant 0 : i32
    return %c0_i32, %c0_i32_0 : i32, i32
  }
  func.func @transform_7(%arg0: i32) -> (i32, i32) {
    %c0_i32 = arith.constant 0 : i32
    %c0_i32_0 = arith.constant 0 : i32
    %c0_i32_1 = arith.constant 0 : i32
    return %c0_i32, %c0_i32_0 : i32, i32
  }
  func.func @transform_8(%arg0: i32) -> (i32, i32) {
    %c0_i32 = arith.constant 0 : i32
    %c0_i32_0 = arith.constant 0 : i32
    %c0_i32_1 = arith.constant 0 : i32
    return %c0_i32, %c0_i32_0 : i32, i32
  }
  func.func @transform_9(%arg0: i32) -> (i32, i32) {
    %c0_i32 = arith.constant 0 : i32
    %c0_i32_0 = arith.constant 0 : i32
    %c0_i32_1 = arith.constant 0 : i32
    return %c0_i32, %c0_i32_0 : i32, i32
  }
  func.func @transform_10(%arg0: i32) -> (i32, i32, i32) {
    %c0_i32 = arith.constant 0 : i32
    %c0_i32_0 = arith.constant 0 : i32
    %c0_i32_1 = arith.constant 0 : i32
    return %arg0, %c0_i32, %c0_i32_0 : i32, i32, i32
  }
}

</mosaic_0001>

<sc_bundles>
// kernel: kernel.4.cloned.1.call-start
scs
__scs_entry_jumppad:
0x0: {  	(pc) =	sbr.rel $0x88, $3  }
0x1: {  	(tag) =	ssettag $0x0;
	lr =	simm.s32 $0x1  }
0x2: {  	[smem:$0x3F97] =	sst lr;
	_ =	strace $0xD0000000  }
0x3: {  	_ = 	snop  }
0x4: {  	_ = 	snop  }
0x5: {  	_ = 	snop  }
0x6: {  	_ = 	snop  }
0x7: {  	_ = 	snop  }
__scs_overlays_trampoline_lowered:
0x8: {  	[smem:$0x3FA6] =	sst s0  }
0x9: {  	[smem:$0x3FA7] =	sst s1  }
0xa: {  	[smem:$0x3FA8] =	sst s2  }
0xb: {  	[smem:$0x3FA9] =	sst s3  }
0xc: {  	[smem:$0x3FAA] =	sst s4  }
0xd: {  	[smem:$0x3FAB] =	sst s5  }
0xe: {  	[smem:$0x3FAC] =	sst s6  }
0xf: {  	[smem:$0x3FAD] =	sst s7  }
0x10: {  	[smem:$0x3FAE] =	sst s8  }
0x11: {  	[smem:$0x3FAF] =	sst s9;
	s0 =	simm.s32 @!p0 $0x0  }
0x12: {  	s1 =	sld [smem:$0x3F95];
	s0 =	simm.s32 @p0 $0x1  }
0x13: {  	[smem:$0x3FB0] =	sst s0;
	s0 =	simm.s32 @!p1 $0x0  }
0x14: {  	s2 =	sld [smem:$0x3F94];
	s0 =	simm.s32 @p1 $0x1  }
0x15: {  	[smem:$0x3FB1] =	sst s0;
	s0 =	simm.s32 @!p2 $0x0  }
0x16: {  	s3 =	sld [smem:$0x3FDB];
	s0 =	simm.s32 @p2 $0x1  }
0x17: {  	s4 =	simm.s32 $0x1BF5;
	[smem:$0x3FB3] =	sst s0  }
0x18: {  	s0 =	sld [smem:$0x3F96];
	_ =	swait.ge [sflag:s4], $0x0  }
0x19: {  	s7 =	sld [smem:$0x3F97]  }
0x1a: {  	s8 =	sadd.s32 $0xFFFFE003, lr  }
0x1b: {  	s9 =	sadd.s32 $0xFFFFFEF7, lr;
	s5 =	simm.s32 $0xFFFFFFFF;
	p2 =	slt.u32 s8, $0xFFFFF086  }
0x1c: {  	p1 =	slt.u32 s9, $0xF7A;
	s5 =	simm.s32 @!p2 $0x0  }
0x1d: {  	s5 =	simm.s32 @p1 $0x1;
	p0 =	seq.s32 s7, s2  }
0x1e: {  	s7 =	smul.u32 @!p0 $0xF7A, s2;
	p2 =	seq.s32 @!p0 s5, $0x0  }
0x1f: {  	s9 =	smul.u32 $0xF7A, s1;
	s8 =	simm.s32 @!p0 $0x1BF5;
	p2 =	por !p2, p0  }
0x20: {  	[sflag:s8] =	ssyncset.s32 @!p0 $0xFFFFF086;
	s6 =	sadd.s32 @!p0 s3, s7;
	s7 =	simm.s32 @!p0 $0x108  }
0x21: {  	s3 =	sadd.s32 s3, s9;
	s6 =	sadd.s32 @!p0 $0x88, s6;
	s7 =	simm.s32 @p2 $0x1082  }
0x22: {  	[simem:s7], [sflag:s8] =	dma.local @!p0 [hbm:s6], $0xF7A  }
0x23: {  	s9 =	sor.u32 $0xD0000000, s2;
	s6 =	simm.s32 $0x108;
	_ =	swait.ge @!p0 [sflag:s8], $0x0  }
0x24: {  	s3 =	sadd.s32 $0x88, s3;
	s6 =	simm.s32 @!p1 $0x1082;
	[sflag:s4] =	ssyncset.s32 $0xFFFFF086  }
0x25: {  	[simem:s6], [sflag:s4] =	dma.local [hbm:s3], $0xF7A  }
0x26: {  	[smem:$0x3F97] =	sst s1;
	(tag) =	ssettag s2;
	_ =	strace s9  }
0x27: {  	s1 =	sld [smem:$0x3FA7]  }
0x28: {  	s2 =	sld [smem:$0x3FA8]  }
0x29: {  	s4 =	sld [smem:$0x3FAA]  }
0x2a: {  	p0 =	seq.s32 s5, $0x0;
	s5 =	sld [smem:$0x3FAB]  }
0x2b: {  	s6 =	sld [smem:$0x3FAC]  }
0x2c: {  	s7 =	sld [smem:$0x3FAD]  }
0x2d: {  	s3 =	simm.s32 $0x108;
	s8 =	sld [smem:$0x3FAE]  }
0x2e: {  	s3 =	simm.s32 @!p0 $0x1082;
	s9 =	sld [smem:$0x3FAF]  }
0x2f: {  	lr =	sadd.s32 s0, s3;
	s0 =	sld [smem:$0x3FA6]  }
0x30: {  	s3 =	sld [smem:$0x3FA9]  }
0x31: {  	[smem:$0x3FB2] =	sst s10  }
0x32: {  	s10 =	sld [smem:$0x3FB0];
	_ =	sdelay $0x3  }
0x33: {  	p0 =	seq.s32 s10, $0x1;
	s10 =	sld [smem:$0x3FB2];
	_ =	sdelay $0x3  }
0x34: {  	[smem:$0x3FB2] =	sst s10  }
0x35: {  	s10 =	sld [smem:$0x3FB1];
	_ =	sdelay $0x3  }
0x36: {  	p1 =	seq.s32 s10, $0x1;
	s10 =	sld [smem:$0x3FB2];
	_ =	sdelay $0x3  }
0x37: {  	[smem:$0x3FB2] =	sst s10  }
0x38: {  	s10 =	sld [smem:$0x3FB3]  }
0x39: {  	_ = 	snop;
	(pc) =	sbr.ind lr, $3  }
0x3a: {  	_ = 	snop  }
0x3b: {  	_ = 	snop  }
0x3c: {  	p2 =	seq.s32 s10, $0x1;
	s10 =	sld [smem:$0x3FB2]  }
0x3d: {  	_ =	shalt  }
0x3e: {  	_ =	shalt  }
0x3f: {  	_ =	shalt  }
0x40: {  	_ =	shalt  }
0x41: {  	_ =	shalt  }
0x42: {  	_ =	shalt  }
0x43: {  	_ =	shalt  }
0x44: {  	_ =	shalt  }
0x45: {  	_ =	shalt  }
0x46: {  	_ =	shalt  }
0x47: {  	_ =	shalt  }
0x48: {  	_ =	shalt  }
0x49: {  	_ =	shalt  }
0x4a: {  	_ =	shalt  }
0x4b: {  	_ =	shalt  }
0x4c: {  	_ =	shalt  }
0x4d: {  	_ =	shalt  }
0x4e: {  	_ =	shalt  }
0x4f: {  	_ =	shalt  }
0x50: {  	_ =	shalt  }
0x51: {  	_ =	shalt  }
0x52: {  	_ =	shalt  }
0x53: {  	_ =	shalt  }
0x54: {  	_ =	shalt  }
0x55: {  	_ =	shalt  }
0x56: {  	_ =	shalt  }
0x57: {  	_ =	shalt  }
0x58: {  	_ =	shalt  }
0x59: {  	_ =	shalt  }
0x5a: {  	_ =	shalt  }
0x5b: {  	_ =	shalt  }
0x5c: {  	_ =	shalt  }
0x5d: {  	_ =	shalt  }
0x5e: {  	_ =	shalt  }
0x5f: {  	_ =	shalt  }
0x60: {  	_ =	shalt  }
0x61: {  	_ =	shalt  }
0x62: {  	_ =	shalt  }
0x63: {  	_ =	shalt  }
0x64: {  	_ =	shalt  }
0x65: {  	_ =	shalt  }
0x66: {  	_ =	shalt  }
0x67: {  	_ =	shalt  }
0x68: {  	_ =	shalt  }
0x69: {  	_ =	shalt  }
0x6a: {  	_ =	shalt  }
0x6b: {  	_ =	shalt  }
0x6c: {  	_ =	shalt  }
0x6d: {  	_ =	shalt  }
0x6e: {  	_ =	shalt  }
0x6f: {  	_ =	shalt  }
0x70: {  	_ =	shalt  }
0x71: {  	_ =	shalt  }
0x72: {  	_ =	shalt  }
0x73: {  	_ =	shalt  }
0x74: {  	_ =	shalt  }
0x75: {  	_ =	shalt  }
0x76: {  	_ =	shalt  }
0x77: {  	_ =	shalt  }
0x78: {  	_ =	shalt  }
0x79: {  	_ =	shalt  }
0x7a: {  	_ =	shalt  }
0x7b: {  	_ =	shalt  }
0x7c: {  	_ =	shalt  }
0x7d: {  	_ =	shalt  }
0x7e: {  	_ =	shalt  }
0x7f: {  	_ =	shalt  }
0x80: {  	_ =	shalt  }
0x81: {  	_ =	shalt  }
0x82: {  	_ =	shalt  }
0x83: {  	_ =	shalt  }
0x84: {  	_ =	shalt  }
0x85: {  	_ =	shalt  }
0x86: {  	_ =	shalt  }
0x87: {  	_ =	shalt  }
.Lfunc_end0:
.L_simem_size_0:
called_computation_lowered:
.L_overlay_start_0:
0x88: {  	s2 =	sld [smem:$0x3FD9]  }
0x89: {  	s3 =	sld [smem:$0x3FFE];
	_ =	sdelay $0x1  }
0x8a: {  	s1 =	srdreg.scid  }
0x8b: {  	s0 =	sand.u32 $0x1, s1  }
0x8c: {  	s17 =	sshll.u32 s0, $0xA;
	s2 =	sadd.s32 s3, s2  }
0x8d: {  	s2 =	sadd.s32 s2, s17  }
0x8e: {  	[smem:$0x3FBE] =	sst s2  }
0x8f: {  	_ = 	snop  }
0x90: {  	s2 =	sld [smem:$0x3FC8];
	(tm) =	ssettm $0x1  }
0x91: {  	s18 =	sld [smem:$0x3FFB];
	_ =	sdelay $0x3  }
0x92: {  	_ =	strace s18  }
0x93: {  	s3 =	sld [smem:$0x3FFC];
	_ =	sdelay $0x3  }
0x94: {  	_ =	strace s3  }
0x95: {  	s3 =	sld [smem:$0x3FFD];
	_ =	sdelay $0x3  }
0x96: {  	_ =	strace s3  }
0x97: {  	_ =	strace $0x8FFFFFFF  }
0x98: {  	s19 =	sld [smem:$0x3FDB];
	_ =	sdelay $0x1  }
0x99: {  	s4 =	simm.s32 $_scs_section_size  }
0x9a: {  	s5 =	simm.s32 $_size__tile_overlayer_lowered;
	s6 =	simm.s32 $_tile_overlayer_lowered  }
0x9b: {  	s22 =	simm.s32 $0x1BFF;
	s21 =	sshll.u32 s6, $0x1;
	s3 =	sadd.s32 s4, s19  }
0x9c: {  	s7 =	simm.s32 $0x0;
	s20 =	sshll.u32 s5, $0x1;
	s5 =	sadd.s32 s21, s3  }
0x9d: {  	[timem:s7], [sflag:s22] =	dma.local [hbm:s5], s20  }
0x9e: {  	_ =	swait.ge [sflag:s22], s20  }
0x9f: {  	s4 =	ssub.s32 $0x0, s20;
	[sflag:s22] =	ssyncset.done $0x0  }
0xa0: {  	[sflag:s22] =	ssyncadd.s32 s4;
	_ =	sdelay $0x1  }
0xa1: {  	s23 =	simm.s32 $0x1B8B  }
0xa2: {  	_ =	swait.ge [sflag:s23], $0x1  }
0xa3: {  	[sflag:s23] =	ssyncset.done $0x0  }
0xa4: {  	s25 =	simm.s32 $0x1B8E;
	s24 =	sld [smem:$0x3FFE];
	[sflag:s23] =	ssyncadd.s32 $0xFFFFFFFF  }
0xa5: {  	s26 =	simm.s32 $execute0_lowered;
	[smem:$0x3FD2] =	sst s25  }
0xa6: {  	s5 =	sshll.u32 s26, $0x1;
	_ =	strace $0x80000046;
	[dreg:$0x1] =	wrdreg $0xFFFFFFFF  }
0xa7: {  	s28 =	simm.s32 $_size_execute0_lowered;
	s3 =	sadd.s32 s3, s5;
	[dreg:$0x0] =	wrdreg $0x0  }
0xa8: {  	s5 =	sshll.u32 s28, $0x1;
	[dreg:$0x2] =	wrdreg s3  }
0xa9: {  	[dreg:$0x3] =	wrdreg s5  }
0xaa: {  	[dreg:$0x4] =	wrdreg $0xC0  }
0xab: {  	_ =	task [dreg:s7], $0x5FFFF  }
0xac: {  	[dreg:$0x1] =	wrdreg $0xFFFFFFFF  }
0xad: {  	[dreg:$0x0] =	wrdreg $0x60  }
0xae: {  	[dreg:$0x2] =	wrdreg s2  }
0xaf: {  	[dreg:$0x3] =	wrdreg s24  }
0xb0: {  	[dreg:$0x4] =	wrdreg $0x9  }
0xb1: {  	_ =	task.clear_ibuf [dreg:s7], $0x5FFFF;
	_ =	strace $0x90000046  }
0xb2: {  	s29 =	simm.s32 $0x9;
	_ =	strace $0x80000048  }
0xb3: {  	_ =	swait.ge [sflag:s29], $0x1  }
0xb4: {  	[sflag:s29] =	ssyncadd.s32 $0xFFFFFFFF  }
0xb5: {  	_ =	strace $0x90000048  }
0xb6: {  	_ =	sfence  }
0xb7: {  	s30 =	sld [smem:$0x0];
	_ =	sdelay $0x2  }
0xb8: {  	s31 =	sshll.u32 s1, $0xD;
	s1 =	sshrl.u32 s1, $0x2  }
0xb9: {  	s3 =	sand.u32 $0x4000, s31;
	s1 =	sadd.s32 s1, s30  }
0xba: {  	s0 =	sor.u32 s3, s0;
	s1 =	sshll.u32 s1, $0x11  }
0xbb: {  	s0 =	sor.u32 s1, s0  }
0xbc: {  	s0 =	sadd.s32 $0x8F2B, s0  }
0xbd: {  	[sflag:s0] =	ssyncadd.remote.s32 $0x1  }
0xbe: {  	_ =	sfence.sel $0xFFFF  }
0xbf: {  	[dreg:$0x0] =	wrdreg $0xFFFFFFFF;
	(pc) =	sbr.abs _section_cstart, $3  }
0xc0: {  	[dreg:$0x1] =	wrdreg $0xFFFFFFFF  }
0xc1: {  	_ =	task.clear_ibuf [dreg:s7], $0x2FFFF;
	_ =	strace $0x9FFFFFFF  }
0xc2: {  	(tm) =	ssettm $0x7FFFFFFF  }
0xc3: {  	_ =	shalt  }
tec
execute0_lowered:
.L_overlay_start_1:
0x0: {  	(tag) =	ssettag $0x1  }
0x1: {  	s1 =	rddreg [dreg:$0x0]  }
0x2: {  	s6 =	rddreg [dreg:$0x1]  }
0x3: {  	s0 =	rddreg [dreg:$0x2];
	s2 =	simm.s32 $0x0  }
0x4: {  	s3 =	srdreg.scid;
	s10 =	simm.s32 $0x1900;
	s11 =	simm.s32 $0x2  }
0x5: {  	s12 =	simm.s32 $0x80;
	s13 =	simm.s32 $0x100;
	s14 =	simm.s32 $0xC80  }
.Ltmp0:
0x6: {  	s15 =	simm.s32 $0x1;
	s4 =	sand.u32 $0x1, s3;
	(pc) =	sbr.rel .LBB2_1-.Ltmp0, $4  }
0x7: {  	s16 =	simm.s32 $0x0;
	[smem:$0x7FF] =	sst s2;
	s7 =	ssub.s32 $0x2, s4  }
0x8: {  	s5 =	sadd.s32 $0x1800, s6;
	s3 =	stileid.u32;
	s8 =	sshrl.u32 s7, $0x1  }
0x9: {  	s6 =	sadd.s32 $0x2000, s6;
	_ =	strace $0x80000047;
	s9 =	ssub.s32 s7, s8  }
0xa: {  	v0 =	vimm.f32 $1.000000000e+00;
	s7 =	sshll.u32 s3, $0x1;
	s8 =	sadd.s32 $0x10, s1;
	s9 =	smax.u32 s9, $0x1  }
.LBB2_7:
0xb: {  	s16 =	sadd.s32 $0x1, s16  }
0xc: {  	p0 =	sne.s32 s16, s9  }
.Ltmp1:
0xd: {  	_ = 	snop;
	(pc) =	sbr.rel @!p0 .LBB2_8-.Ltmp1, $1  }
0xe: {  	_ =	sdelay $0x3  }
.LBB2_1:
.Ltmp2:
0xf: {  	(pc) =	sbr.rel .LBB2_2-.Ltmp2, $2  }
0x10: {  	_ =	sdelay $0x2  }
0x11: {  	s17 =	simm.s32 $0x0  }
.LBB2_6:
0x12: {  	s17 =	sadd.s32 $0x1, s17  }
0x13: {  	p0 =	sne.s32 s17, $0x4  }
.Ltmp3:
0x14: {  	_ = 	snop;
	(pc) =	sbr.rel @!p0 .LBB2_7-.Ltmp3, $1  }
0x15: {  	_ =	sdelay $0x3  }
.LBB2_2:
0x16: {  	s18 =	sshll.u32 s17, $0x5  }
0x17: {  	s18 =	sor.u32 s7, s18  }
0x18: {  	p0 =	sgt.u32 s18, $0x63  }
.Ltmp4:
0x19: {  	_ = 	snop;
	(pc) =	sbr.rel @p0 .LBB2_6-.Ltmp4, $1  }
0x1a: {  	_ =	sdelay $0x3  }
0x1b: {  	s18 =	sor.u32 s4, s18;
	s19 =	simm.s32 $0x0  }
0x1c: {  	[tilespmem:s10], [sflag:$0x2] =	stream.linear.gather [hbm4b:s5+s19], $0x4000, $0x38;
	[tilespmem:$0x5900] =	vst v63  }
0x1d: {  	s20 =	smul.u32 $0x320, s18;
	_ =	swait.ge [sflag:s11], $0x4000  }
0x1e: {  	[sflag:s11] =	ssyncset.done $0x0  }
0x1f: {  	s21 =	sadd.s32 s1, s20;
	[sflag:s11] =	ssyncadd.s32 $0xFFFFC000  }
0x20: {  	[tilespmem:s19], [sflag:$0x2] =	stream.strided.gather [hbm4b:s21+s12], $0xC80, s13, s12, $0x38;
	[tilespmem:$0x5900] =	vst v63  }
0x21: {  	_ =	swait.ge [sflag:s11], $0xC80  }
0x22: {  	[sflag:s11] =	ssyncset.done $0x0  }
0x23: {  	s30 =	sadd.s32 s20, s8;
	[sflag:s11] =	ssyncadd.s32 $0xFFFFF380  }
0x24: {  	[tilespmem:s14], [sflag:$0x2] =	stream.strided.gather [hbm4b:s30+s12], $0xC80, s13, s12, $0x38;
	[tilespmem:$0x5900] =	vst v63  }
0x25: {  	_ =	swait.ge [sflag:s11], $0xC80  }
0x26: {  	s31 =	smul.u32 $0x64, s18;
	[sflag:s11] =	ssyncset.done $0x0  }
0x27: {  	s20 =	simm.s32 $0x0;
	[sflag:s11] =	ssyncadd.s32 $0xFFFFF380  }
0x28: {  	v1 =	vmov s31;
	s19 =	simm.s32 $0x40;
	v2 =	vld [tilespmem:s20+$0xC80]  }
.LBB2_4:
0x29: {  	p0 =	sne.s32 s19, $0x31C0;
	v3 =	vld [tilespmem:s20+$0x0];
	_ =	sdelay $0x4  }
0x2a: {  	v2 =	vsub.s32 v2, v1;
	v3 =	vsub.s32 v3, v1  }
0x2b: {  	v2 =	vshll.u32 v2, $0x7;
	v4 =	vand.u32 $0xFFFFFF80, v3  }
0x2c: {  	v3 =	vand.u32 $0x7F, v3;
	v2 =	vadd.s32 v4, v2  }
0x2d: {  	v2 =	vor.u32 v3, v2;
	_ =	sdelay $0x1  }
.Ltmp5:
0x2e: {  	(pc) =	sbr.rel @p0 .LBB2_4-.Ltmp5, $3  }
0x2f: {  	_ =	sdelay $0x1  }
0x30: {  	s20 =	sshra.s32 s19, $0x2;
	[tilespmem:v2+s10+$0x0] =	vst.idx.add.f32.msk $0xffff, v0  }
0x31: {  	s19 =	sadd.s32 $0x40, s19;
	v2 =	vld [tilespmem:s20+$0xC80]  }
0x32: {  	v3 =	vld [tilespmem:s20+$0x0];
	_ =	sdelay $0x4  }
0x33: {  	v3 =	vsub.s32 v3, v1;
	v1 =	vsub.s32 v2, v1  }
0x34: {  	v2 =	vand.u32 $0xFFFFFF80, v3;
	v1 =	vshll.u32 v1, $0x7  }
0x35: {  	v3 =	vand.u32 $0x7F, v3;
	v1 =	vadd.s32 v2, v1  }
0x36: {  	v1 =	vor.u32 v3, v1;
	_ =	sdelay $0x3  }
0x37: {  	s18 =	sshll.u32 s18, $0xB  }
.Ltmp6:
0x38: {  	s18 =	sadd.s32 s6, s18;
	[tilespmem:v1+s10+$0x0] =	vst.idx.add.f32.msk $0xffff, v0;
	(pc) =	sbr.rel .LBB2_6-.Ltmp6, $4  }
0x39: {  	[hbm4b:s18+s2] =	stream.linear.scatter [tilespmem:s10], [sflag:$0x1], $0x4000, $0x38;
	[tilespmem:$0x5900] =	vst v63  }
0x3a: {  	_ =	swait.ge [sflag:s15], $0x4000  }
0x3b: {  	[sflag:s15] =	ssyncset.done $0x0  }
0x3c: {  	[sflag:s15] =	ssyncadd.s32 $0xFFFFC000  }
.LBB2_8:
0x3d: {  	_ =	sfence.sel $0x180000  }
0x3e: {  	[bflag:$0x0] =	sbarrier.arrive $0xFFFF  }
0x3f: {  	p0 =	sne.s32 s3, $0x0;
	_ =	strace $0x90000047  }
0x40: {  	s0 =	sadd.s32 @!p0 $0x100000, s0;
	[bflag:$0x2] =	sbarrier.arrive $0xFFFF  }
0x41: {  	[sflag:s0] =	ssyncadd.tile.s32 @!p0 $0x1;
	_ =	shalt  }
.Lfunc_end2:
_tile_overlayer_lowered:
.L_overlay_start_2:
0x42: {  	(tag) =	ssettag $0x2  }
0x43: {  	s0 =	rddreg [dreg:$0x0];
	s2 =	stileid.u32  }
0x44: {  	s1 =	rddreg [dreg:$0x1];
	p0 =	sne.s32 s2, $0x0  }
0x45: {  	s3 =	rddreg [dreg:$0x2];
	[bflag:$0x3] =	sbarrier.arrive $0xFFFF;
	s2 =	simm.s32 @!p0 $0x1C01  }
0x46: {  	[timem:s3], [sflag:s2] =	dma.local @!p0 [hbm:s0], s1  }
0x47: {  	s0 =	simm.s32 @!p0 $0x1  }
0x48: {  	_ =	swait.ge @!p0 [sflag:s0], s1  }
0x49: {  	s1 =	ssub.s32 @!p0 $0x0, s1;
	[sflag:s0] =	ssyncset.done @!p0 $0x0  }
0x4a: {  	[sflag:s0] =	ssyncadd.s32 @!p0 s1  }
0x4b: {  	[bflag:$0x3] =	sbarrier.arrive $0xFFFF  }
0x4c: {  	_ =	shalt  }

</sc_bundles>
